<compile_context>
chip_gen: v7x
topology: tpu7x:2x2x1
jax: 0.10.2.dev20260603
libtpu: 0.0.44.dev20260713+nightly
codegen_flags: <defaults>
</compile_context>

<pallas_src>
import functools

import jax
import jax.numpy as jnp
from jax import lax
from jax.experimental import pallas as pl
from jax.experimental.pallas import tpu as pltpu
from jax.experimental.pallas import tpu_sc as plsc

C = 128
N = 10000
K = 32
NUM_CORES = 2
NUM_SUBCORES = 16
NUM_WORKERS = NUM_CORES * NUM_SUBCORES
N_PAD = 10240
PER_WORKER = N_PAD // NUM_WORKERS
NB = 64
NCHUNKS = PER_WORKER // NB
LANES = 16

STAGE_ROWS = 632
STAGE_LAST = N - 15 * STAGE_ROWS


def _sc_gather_sum(xt, idx_w):
  mesh = plsc.VectorSubcoreMesh(
      core_axis_name="c", subcore_axis_name="s")

  @functools.partial(
      pl.kernel,
      mesh=mesh,
      out_type=jax.ShapeDtypeStruct((N_PAD, C), jnp.float32),
      scratch_types=[
          pltpu.VMEM((NCHUNKS * K, NB), jnp.int32),
          pltpu.VMEM((NB, C), jnp.float32),
          pltpu.VMEM((NB, C), jnp.float32),
          pltpu.VMEM_SHARED((N, C), jnp.float32),
          pltpu.SemaphoreType.DMA,
          pltpu.SemaphoreType.DMA,
      ],
  )
  def body(xt_hbm, idxw_hbm, out_hbm, idx_t, acc0, acc1,
           tbl_s, sem_a, sem_b):
    sid = lax.axis_index("s")
    wid = sid * NUM_CORES + lax.axis_index("c")
    base = wid * PER_WORKER

    @pl.when(sid < 15)
    def _stage_main():
      off = pl.multiple_of(sid * STAGE_ROWS, 8)
      pltpu.sync_copy(xt_hbm.at[pl.ds(off, STAGE_ROWS)],
                      tbl_s.at[pl.ds(off, STAGE_ROWS)])

    @pl.when(sid == 15)
    def _stage_last():
      pltpu.sync_copy(xt_hbm.at[pl.ds(15 * STAGE_ROWS, STAGE_LAST)],
                      tbl_s.at[pl.ds(15 * STAGE_ROWS, STAGE_LAST)])

    pltpu.sync_copy(idxw_hbm.at[wid], idx_t)

    plsc.subcore_barrier()

    zv = jnp.zeros((LANES,), jnp.float32)
    accs = (acc0, acc1)
    sems = (sem_a, sem_b)

    def zero(acc):
      @pl.loop(0, NB)
      def _z(r):
        for cs in range(C // LANES):
          acc[r, pl.ds(cs * LANES, LANES)] = zv

    def fire(c, acc, sem):
      @pl.loop(0, K)
      def _f(k):
        pltpu.async_copy(tbl_s.at[idx_t.at[c * K + k]], acc, sem, add=True)

    def drain(acc, sem):
      @pl.loop(0, K)
      def _d(k):
        pltpu.make_async_copy(tbl_s.at[idx_t.at[0]], acc, sem).wait()

    for c in range(NCHUNKS):
      b, ob = c % 2, (c - 1) % 2
      zero(accs[b])
      fire(c, accs[b], sems[b])
      if c > 0:
        drain(accs[ob], sems[ob])
        pltpu.sync_copy(accs[ob], out_hbm.at[pl.ds(base + (c - 1) * NB, NB)])
    last = NCHUNKS - 1
    drain(accs[last % 2], sems[last % 2])
    pltpu.sync_copy(accs[last % 2],
                    out_hbm.at[pl.ds(base + last * NB, NB)])

  return body(xt, idx_w)


BN = 2048


def _tc_self(x2d, w, b1d, eps2d):

  def body(eps_ref, w_ref, b_ref, x_ref, o_ref):
    scale = 1.0 + eps_ref[0, 0]
    o_ref[...] = lax.dot_general(
        x_ref[...] * scale, w_ref[...],
        dimension_numbers=(((0,), (1,)), ((), ())),
        preferred_element_type=jnp.float32,
    ) + b_ref[...]

  grid = (pl.cdiv(N, BN),)
  return pl.pallas_call(
      body,
      grid=grid,
      in_specs=[
          pl.BlockSpec((1, 1), lambda i: (0, 0)),
          pl.BlockSpec((C, C), lambda i: (0, 0)),
          pl.BlockSpec((1, C), lambda i: (0, 0)),
          pl.BlockSpec((C, BN), lambda i: (0, i)),
      ],
      out_specs=pl.BlockSpec((BN, C), lambda i: (i, 0)),
      out_shape=jax.ShapeDtypeStruct((N, C), jnp.float32),
  )(eps2d, w, b1d, x2d)


def _tc_neigh(t1t, s, w):

  def body(w_ref, t1_ref, s_ref, o_ref):
    t2 = lax.dot_general(
        s_ref[...], w_ref[...],
        dimension_numbers=(((1,), (1,)), ((), ())),
        preferred_element_type=jnp.float32,
    )
    o_ref[...] = jnp.maximum(t1_ref[...] + t2, 0.0)

  grid = (pl.cdiv(N, BN),)
  return pl.pallas_call(
      body,
      grid=grid,
      in_specs=[
          pl.BlockSpec((C, C), lambda i: (0, 0)),
          pl.BlockSpec((BN, C), lambda i: (i, 0)),
          pl.BlockSpec((BN, C), lambda i: (i, 0)),
      ],
      out_specs=pl.BlockSpec((BN, C), lambda i: (i, 0)),
      out_shape=jax.ShapeDtypeStruct((N, C), jnp.float32),
  )(w, t1t, s)


def kernel(x, edge_index, W, b, eps):
  x2d = x.reshape(C, N)
  xt = x2d.T
  idx = edge_index[0].reshape(N, K)
  pad_idx = (jnp.arange((N_PAD - N) * K, dtype=jnp.int32) % N).reshape(
      N_PAD - N, K)
  idx_w = (
      jnp.concatenate([idx, pad_idx], axis=0)
      .reshape(NUM_WORKERS, NCHUNKS, NB, K)
      .transpose(0, 1, 3, 2)
      .reshape(NUM_WORKERS, NCHUNKS * K, NB)
  )
  s = _sc_gather_sum(xt, idx_w)

  b1d = b.reshape(1, C)
  eps2d = eps.reshape(1, 1)
  t1t = _tc_self(x2d, W, b1d, eps2d)
  out_t = _tc_neigh(t1t, s, W)
  return out_t.T.reshape(1, C, N, 1)

# --- scband reference (transcript-rebuilt; emitter-appended) ---
"""Pipeline reference for scband-graph-conv2d-34368328302636 (READ-ONLY COPY).

The authoritative reference and input builder live on the scoring server;
editing this copy changes nothing except your own understanding.
"""

import jax, jax.numpy as jnp
import numpy as np


def batched_index_select(x, idx):
    # x: (B, C, N, 1), idx: (B, N, K) -> (B, C, N, K)
    B, C, N = x.shape[0], x.shape[1], x.shape[2]
    K = idx.shape[-1]
    idx_base = jnp.arange(B, dtype=idx.dtype).reshape(-1, 1, 1) * N
    idx_flat = (idx + idx_base).reshape(-1)
    xt = jnp.transpose(x, (0, 2, 1, 3)).reshape(B * N, C)
    feat = xt[idx_flat].reshape(B, N, K, C)
    return jnp.transpose(feat, (0, 3, 1, 2))


def setup_inputs(seed: int = 0) -> dict:
    key = jax.random.key(seed)
    k1, k2, k3 = jax.random.split(key, 3)
    B, C, N, K = 1, 128, 10000, 32
    x = jax.random.normal(k1, (B, C, N, 1), dtype=jnp.float32)
    edge_index = jax.random.randint(k2, (2, B, N, K), 0, N, dtype=jnp.int32)
    # GINConv2d params: BasicConv([128, 128]) == 1x1 conv weight + bias, plus eps
    W = jax.random.normal(k3, (128, 128), dtype=jnp.float32) * 0.05
    b = jnp.zeros((128,), dtype=jnp.float32)
    eps = jnp.zeros((1,), dtype=jnp.float32)
    return {"x": x, "edge_index": edge_index, "W": W, "b": b, "eps": eps}


def reference(x, edge_index, W, b, eps):
    # GraphConv2d(conv='gin') -> GINConv2d.forward
    x_j = batched_index_select(x, edge_index[0])        # (B, C, N, K)
    x_j = jnp.sum(x_j, axis=-1, keepdims=True)           # (B, C, N, 1)
    h = (1.0 + eps[0]) * x + x_j                         # (B, C, N, 1)
    # BasicConv: 1x1 Conv2d(128 -> 128, bias) + ReLU
    out = jnp.einsum('oc,bcnl->bonl', W, h) + b[None, :, None, None]
    return jax.nn.relu(out)

if __name__ == "__main__":
    import jax
    _d = setup_inputs()
    print(jax.jit(kernel)(*tuple(_d.values())))

</pallas_src>

<mosaic_0001>
#map = affine_map<(d0, d1) -> (0, 0)>
#map1 = affine_map<(d0, d1) -> (0, 0, 0)>
module attributes {stable_mosaic.version = 14 : i64} {
  func.func @body(%arg0: i32, %arg1: i32, %arg2: memref<10000x128xf32, #tpu.memory_space<hbm>>, %arg3: memref<32x160x64xi32, #tpu.memory_space<hbm>>, %arg4: memref<10240x128xf32, #tpu.memory_space<hbm>>, %arg5: memref<160x64xi32, #tpu.memory_space<vmem>>, %arg6: memref<64x128xf32, #tpu.memory_space<vmem>>, %arg7: memref<64x128xf32, #tpu.memory_space<vmem>>, %arg8: memref<10000x128xf32, #tpu.memory_space<vmem_shared>>, %arg9: memref<!tpu.dma_semaphore, #tpu.memory_space<semaphore_mem>>, %arg10: memref<!tpu.dma_semaphore, #tpu.memory_space<semaphore_mem>>) attributes {dimension_semantics = [#tpu.dimension_semantics<core_parallel>, #tpu.dimension_semantics<subcore_parallel>], iteration_bounds = array<i64: 2, 16>, scalar_prefetch = 0 : i64, scratch_operands = 6 : i64, tpu.core_type = #tpu.core_type<sc_vector_subcore>, window_params = [{transform_indices = #map}, {transform_indices = #map1}, {transform_indices = #map}]} {
    %mul3A = arith.constant 2 : i32
    %mul3A_0 = arith.muli %arg1, %mul3A : i32
    %add3A = arith.addi %mul3A_0, %arg0 : i32
    %mul3A_1 = arith.constant 320 : i32
    %mul3A_2 = arith.muli %add3A, %mul3A_1 : i32
    %lt3A = arith.constant 15 : i32
    %lt3A_3 = arith.cmpi slt, %arg1, %lt3A : i32
    %convert_element_type3A = arith.extui %lt3A_3 : i1 to i32
    %cond3A = arith.constant 0 : i32
    %cond3A_4 = arith.cmpi ne, %convert_element_type3A, %cond3A : i32
    scf.if %cond3A_4 {
      %mul3A_94 = arith.constant 632 : i32
      %mul3A_95 = arith.muli %arg1, %mul3A_94 : i32
      %multiple_of3A = tpu.assume_multiple %mul3A_95, 8 : i32
      "tpu.region"() ({
        %run_scoped3A = tpu.sem_alloc : memref<!tpu.dma_semaphore, #tpu.memory_space<semaphore_mem>>
        %dma_start3A = arith.constant 0 : i32
        %dma_start3A_96 = tpu.memref_slice %arg8[%multiple_of3A, %dma_start3A] : memref<10000x128xf32, #tpu.memory_space<vmem_shared>> -> memref<632x128xf32, #tpu.memory_space<vmem_shared>>
        %dma_start3A_97 = arith.constant 0 : i32
        %dma_start3A_98 = tpu.memref_slice %arg2[%multiple_of3A, %dma_start3A_97] : memref<10000x128xf32, #tpu.memory_space<hbm>> -> memref<632x128xf32, #tpu.memory_space<hbm>>
        tpu.enqueue_dma source(%dma_start3A_98 : memref<632x128xf32, #tpu.memory_space<hbm>>) target(%dma_start3A_96 : memref<632x128xf32, #tpu.memory_space<vmem_shared>>) target_semaphore(%run_scoped3A : memref<!tpu.dma_semaphore, #tpu.memory_space<semaphore_mem>>)
        %dma_wait3A = arith.constant 0 : i32
        %dma_wait3A_99 = tpu.memref_slice %arg8[%multiple_of3A, %dma_wait3A] : memref<10000x128xf32, #tpu.memory_space<vmem_shared>> -> memref<632x128xf32, #tpu.memory_space<vmem_shared>>
        %dma_wait3A_100 = arith.constant 0 : i32
        %dma_wait3A_101 = tpu.memref_slice %arg2[%multiple_of3A, %dma_wait3A_100] : memref<10000x128xf32, #tpu.memory_space<hbm>> -> memref<632x128xf32, #tpu.memory_space<hbm>>
        tpu.wait_dma2 semaphore(%run_scoped3A : memref<!tpu.dma_semaphore, #tpu.memory_space<semaphore_mem>>) src(%dma_wait3A_101 : memref<632x128xf32, #tpu.memory_space<hbm>>) dst(%dma_wait3A_99 : memref<632x128xf32, #tpu.memory_space<vmem_shared>>)
        tpu.yield
      }) : () -> ()
    } else {
    }
    %eq3A = arith.constant 15 : i32
    %eq3A_5 = arith.cmpi eq, %arg1, %eq3A : i32
    %convert_element_type3A_6 = arith.extui %eq3A_5 : i1 to i32
    %cond3A_7 = arith.constant 0 : i32
    %cond3A_8 = arith.cmpi ne, %convert_element_type3A_6, %cond3A_7 : i32
    scf.if %cond3A_8 {
      "tpu.region"() ({
        %run_scoped3A = tpu.sem_alloc : memref<!tpu.dma_semaphore, #tpu.memory_space<semaphore_mem>>
        %dma_start3A = arith.constant 9480 : i32
        %dma_start3A_94 = arith.constant 0 : i32
        %dma_start3A_95 = tpu.memref_slice %arg8[%dma_start3A, %dma_start3A_94] : memref<10000x128xf32, #tpu.memory_space<vmem_shared>> -> memref<520x128xf32, #tpu.memory_space<vmem_shared>>
        %dma_start3A_96 = arith.constant 9480 : i32
        %dma_start3A_97 = arith.constant 0 : i32
        %dma_start3A_98 = tpu.memref_slice %arg2[%dma_start3A_96, %dma_start3A_97] : memref<10000x128xf32, #tpu.memory_space<hbm>> -> memref<520x128xf32, #tpu.memory_space<hbm>>
        tpu.enqueue_dma source(%dma_start3A_98 : memref<520x128xf32, #tpu.memory_space<hbm>>) target(%dma_start3A_95 : memref<520x128xf32, #tpu.memory_space<vmem_shared>>) target_semaphore(%run_scoped3A : memref<!tpu.dma_semaphore, #tpu.memory_space<semaphore_mem>>)
        %dma_wait3A = arith.constant 9480 : i32
        %dma_wait3A_99 = arith.constant 0 : i32
        %dma_wait3A_100 = tpu.memref_slice %arg8[%dma_wait3A, %dma_wait3A_99] : memref<10000x128xf32, #tpu.memory_space<vmem_shared>> -> memref<520x128xf32, #tpu.memory_space<vmem_shared>>
        %dma_wait3A_101 = arith.constant 9480 : i32
        %dma_wait3A_102 = arith.constant 0 : i32
        %dma_wait3A_103 = tpu.memref_slice %arg2[%dma_wait3A_101, %dma_wait3A_102] : memref<10000x128xf32, #tpu.memory_space<hbm>> -> memref<520x128xf32, #tpu.memory_space<hbm>>
        tpu.wait_dma2 semaphore(%run_scoped3A : memref<!tpu.dma_semaphore, #tpu.memory_space<semaphore_mem>>) src(%dma_wait3A_103 : memref<520x128xf32, #tpu.memory_space<hbm>>) dst(%dma_wait3A_100 : memref<520x128xf32, #tpu.memory_space<vmem_shared>>)
        tpu.yield
      }) : () -> ()
    } else {
    }
    "tpu.region"() ({
      %run_scoped3A = tpu.sem_alloc : memref<!tpu.dma_semaphore, #tpu.memory_space<semaphore_mem>>
      %dma_start3A = arith.constant 0 : i32
      %dma_start3A_94 = arith.constant 0 : i32
      %dma_start3A_95 = tpu.memref_slice %arg3[%add3A, %dma_start3A, %dma_start3A_94] : memref<32x160x64xi32, #tpu.memory_space<hbm>> -> memref<1x160x64xi32, #tpu.memory_space<hbm>>
      %dma_start3A_96 = tpu.memref_squeeze %dma_start3A_95 : memref<1x160x64xi32, #tpu.memory_space<hbm>> -> memref<160x64xi32, #tpu.memory_space<hbm>>
      %dma_start3A_97 = arith.constant 0 : i32
      %dma_start3A_98 = arith.constant 0 : i32
      %dma_start3A_99 = tpu.memref_slice %arg3[%add3A, %dma_start3A_97, %dma_start3A_98] : memref<32x160x64xi32, #tpu.memory_space<hbm>> -> memref<1x160x64xi32, #tpu.memory_space<hbm>>
      %dma_start3A_100 = tpu.memref_squeeze %dma_start3A_99 : memref<1x160x64xi32, #tpu.memory_space<hbm>> -> memref<160x64xi32, #tpu.memory_space<hbm>>
      tpu.enqueue_dma source(%dma_start3A_100 : memref<160x64xi32, #tpu.memory_space<hbm>>) target(%arg5 : memref<160x64xi32, #tpu.memory_space<vmem>>) target_semaphore(%run_scoped3A : memref<!tpu.dma_semaphore, #tpu.memory_space<semaphore_mem>>)
      %dma_wait3A = arith.constant 0 : i32
      %dma_wait3A_101 = arith.constant 0 : i32
      %dma_wait3A_102 = tpu.memref_slice %arg3[%add3A, %dma_wait3A, %dma_wait3A_101] : memref<32x160x64xi32, #tpu.memory_space<hbm>> -> memref<1x160x64xi32, #tpu.memory_space<hbm>>
      %dma_wait3A_103 = tpu.memref_squeeze %dma_wait3A_102 : memref<1x160x64xi32, #tpu.memory_space<hbm>> -> memref<160x64xi32, #tpu.memory_space<hbm>>
      %dma_wait3A_104 = arith.constant 0 : i32
      %dma_wait3A_105 = arith.constant 0 : i32
      %dma_wait3A_106 = tpu.memref_slice %arg3[%add3A, %dma_wait3A_104, %dma_wait3A_105] : memref<32x160x64xi32, #tpu.memory_space<hbm>> -> memref<1x160x64xi32, #tpu.memory_space<hbm>>
      %dma_wait3A_107 = tpu.memref_squeeze %dma_wait3A_106 : memref<1x160x64xi32, #tpu.memory_space<hbm>> -> memref<160x64xi32, #tpu.memory_space<hbm>>
      tpu.wait_dma2 semaphore(%run_scoped3A : memref<!tpu.dma_semaphore, #tpu.memory_space<semaphore_mem>>) src(%dma_wait3A_107 : memref<160x64xi32, #tpu.memory_space<hbm>>) dst(%arg5 : memref<160x64xi32, #tpu.memory_space<vmem>>)
      tpu.yield
    }) : () -> ()
    %barrier3A = arith.constant 0 : index
    tpu.barrier barrier_id(%barrier3A)
    %broadcast_in_dim3A = arith.constant 0.000000e+00 : f32
    %broadcast_in_dim3A_9 = vector.broadcast %broadcast_in_dim3A : f32 to vector<16xf32>
    %scan3A = arith.constant 0 : i32
    %scan3A_10 = arith.constant 64 : i32
    %scan3A_11 = arith.addi %scan3A, %scan3A_10 : i32
    %scan3A_12 = arith.constant 1 : i32
    scf.for %scan3A_94 = %scan3A to %scan3A_11 step %scan3A_12  : i32 {
      %mul3A_95 = arith.constant 1 : i32
      %mul3A_96 = arith.muli %scan3A_94, %mul3A_95 : i32
      %add3A_97 = arith.constant 0 : i32
      %add3A_98 = arith.addi %add3A_97, %mul3A_96 : i32
      %swap3A = arith.index_cast %add3A_98 : i32 to index
      %swap3A_99 = arith.constant 0 : index
      %swap3A_100 = tpu.vector_load %arg6[%swap3A, %swap3A_99] {strides = array<i32>} : memref<64x128xf32, #tpu.memory_space<vmem>>, vector<1x16xf32>,
      %swap3A_101 = vector.shape_cast %swap3A_100 : vector<1x16xf32> to vector<16xf32>
      %swap3A_102 = vector.shape_cast %broadcast_in_dim3A_9 : vector<16xf32> to vector<1x16xf32>
      tpu.vector_store %arg6[%swap3A, %swap3A_99], %swap3A_102 {strides = array<i32>} : memref<64x128xf32, #tpu.memory_space<vmem>>, vector<1x16xf32>,
      %swap3A_103 = arith.index_cast %add3A_98 : i32 to index
      %swap3A_104 = arith.constant 16 : index
      %swap3A_105 = tpu.vector_load %arg6[%swap3A_103, %swap3A_104] {strides = array<i32>} : memref<64x128xf32, #tpu.memory_space<vmem>>, vector<1x16xf32>,
      %swap3A_106 = vector.shape_cast %swap3A_105 : vector<1x16xf32> to vector<16xf32>
      %swap3A_107 = vector.shape_cast %broadcast_in_dim3A_9 : vector<16xf32> to vector<1x16xf32>
      tpu.vector_store %arg6[%swap3A_103, %swap3A_104], %swap3A_107 {strides = array<i32>} : memref<64x128xf32, #tpu.memory_space<vmem>>, vector<1x16xf32>,
      %swap3A_108 = arith.index_cast %add3A_98 : i32 to index
      %swap3A_109 = arith.constant 32 : index
      %swap3A_110 = tpu.vector_load %arg6[%swap3A_108, %swap3A_109] {strides = array<i32>} : memref<64x128xf32, #tpu.memory_space<vmem>>, vector<1x16xf32>,
      %swap3A_111 = vector.shape_cast %swap3A_110 : vector<1x16xf32> to vector<16xf32>
      %swap3A_112 = vector.shape_cast %broadcast_in_dim3A_9 : vector<16xf32> to vector<1x16xf32>
      tpu.vector_store %arg6[%swap3A_108, %swap3A_109], %swap3A_112 {strides = array<i32>} : memref<64x128xf32, #tpu.memory_space<vmem>>, vector<1x16xf32>,
      %swap3A_113 = arith.index_cast %add3A_98 : i32 to index
      %swap3A_114 = arith.constant 48 : index
      %swap3A_115 = tpu.vector_load %arg6[%swap3A_113, %swap3A_114] {strides = array<i32>} : memref<64x128xf32, #tpu.memory_space<vmem>>, vector<1x16xf32>,
      %swap3A_116 = vector.shape_cast %swap3A_115 : vector<1x16xf32> to vector<16xf32>
      %swap3A_117 = vector.shape_cast %broadcast_in_dim3A_9 : vector<16xf32> to vector<1x16xf32>
      tpu.vector_store %arg6[%swap3A_113, %swap3A_114], %swap3A_117 {strides = array<i32>} : memref<64x128xf32, #tpu.memory_space<vmem>>, vector<1x16xf32>,
      %swap3A_118 = arith.index_cast %add3A_98 : i32 to index
      %swap3A_119 = arith.constant 64 : index
      %swap3A_120 = tpu.vector_load %arg6[%swap3A_118, %swap3A_119] {strides = array<i32>} : memref<64x128xf32, #tpu.memory_space<vmem>>, vector<1x16xf32>,
      %swap3A_121 = vector.shape_cast %swap3A_120 : vector<1x16xf32> to vector<16xf32>
      %swap3A_122 = vector.shape_cast %broadcast_in_dim3A_9 : vector<16xf32> to vector<1x16xf32>
      tpu.vector_store %arg6[%swap3A_118, %swap3A_119], %swap3A_122 {strides = array<i32>} : memref<64x128xf32, #tpu.memory_space<vmem>>, vector<1x16xf32>,
      %swap3A_123 = arith.index_cast %add3A_98 : i32 to index
      %swap3A_124 = arith.constant 80 : index
      %swap3A_125 = tpu.vector_load %arg6[%swap3A_123, %swap3A_124] {strides = array<i32>} : memref<64x128xf32, #tpu.memory_space<vmem>>, vector<1x16xf32>,
      %swap3A_126 = vector.shape_cast %swap3A_125 : vector<1x16xf32> to vector<16xf32>
      %swap3A_127 = vector.shape_cast %broadcast_in_dim3A_9 : vector<16xf32> to vector<1x16xf32>
      tpu.vector_store %arg6[%swap3A_123, %swap3A_124], %swap3A_127 {strides = array<i32>} : memref<64x128xf32, #tpu.memory_space<vmem>>, vector<1x16xf32>,
      %swap3A_128 = arith.index_cast %add3A_98 : i32 to index
      %swap3A_129 = arith.constant 96 : index
      %swap3A_130 = tpu.vector_load %arg6[%swap3A_128, %swap3A_129] {strides = array<i32>} : memref<64x128xf32, #tpu.memory_space<vmem>>, vector<1x16xf32>,
      %swap3A_131 = vector.shape_cast %swap3A_130 : vector<1x16xf32> to vector<16xf32>
      %swap3A_132 = vector.shape_cast %broadcast_in_dim3A_9 : vector<16xf32> to vector<1x16xf32>
      tpu.vector_store %arg6[%swap3A_128, %swap3A_129], %swap3A_132 {strides = array<i32>} : memref<64x128xf32, #tpu.memory_space<vmem>>, vector<1x16xf32>,
      %swap3A_133 = arith.index_cast %add3A_98 : i32 to index
      %swap3A_134 = arith.constant 112 : index
      %swap3A_135 = tpu.vector_load %arg6[%swap3A_133, %swap3A_134] {strides = array<i32>} : memref<64x128xf32, #tpu.memory_space<vmem>>, vector<1x16xf32>,
      %swap3A_136 = vector.shape_cast %swap3A_135 : vector<1x16xf32> to vector<16xf32>
      %swap3A_137 = vector.shape_cast %broadcast_in_dim3A_9 : vector<16xf32> to vector<1x16xf32>
      tpu.vector_store %arg6[%swap3A_133, %swap3A_134], %swap3A_137 {strides = array<i32>} : memref<64x128xf32, #tpu.memory_space<vmem>>, vector<1x16xf32>,
    }
    %scan3A_13 = arith.constant 64 : i32
    %scan3A_14 = arith.constant 0 : i32
    %scan3A_15 = arith.constant 32 : i32
    %scan3A_16 = arith.addi %scan3A_14, %scan3A_15 : i32
    %scan3A_17 = arith.constant 1 : i32
    scf.for %scan3A_94 = %scan3A_14 to %scan3A_16 step %scan3A_17  : i32 {
      %mul3A_95 = arith.constant 1 : i32
      %mul3A_96 = arith.muli %scan3A_94, %mul3A_95 : i32
      %add3A_97 = arith.constant 0 : i32
      %add3A_98 = arith.addi %add3A_97, %mul3A_96 : i32
      %add3A_99 = arith.constant 0 : i32
      %add3A_100 = arith.addi %add3A_99, %add3A_98 : i32
      %dma_start3A = arith.constant 0 : i32
      %dma_start3A_101 = tpu.memref_slice %arg5[%add3A_100, %dma_start3A] : memref<160x64xi32, #tpu.memory_space<vmem>> -> memref<1x64xi32, #tpu.memory_space<vmem>>
      %dma_start3A_102 = tpu.memref_squeeze %dma_start3A_101 : memref<1x64xi32, #tpu.memory_space<vmem>> -> memref<64xi32, #tpu.memory_space<vmem>>
      %dma_start3A_103 = arith.constant 0 : i32
      %dma_start3A_104 = arith.constant 0 : i32
      %dma_start3A_105 = tpu.memref_slice %arg8[%dma_start3A_103, %dma_start3A_104] : memref<10000x128xf32, #tpu.memory_space<vmem_shared>> -> memref<10000x128xf32, #tpu.memory_space<vmem_shared>>
      tpu.enqueue_indirect_dma source(%dma_start3A_105 : memref<10000x128xf32, #tpu.memory_space<vmem_shared>>) target(%arg6 : memref<64x128xf32, #tpu.memory_space<vmem>>) offsets(%dma_start3A_102 : memref<64xi32, #tpu.memory_space<vmem>>) semaphore(%arg9 : memref<!tpu.dma_semaphore, #tpu.memory_space<semaphore_mem>>) {add = true}
    }
    %scan3A_18 = arith.constant 32 : i32
    %scan3A_19 = arith.constant 0 : i32
    %scan3A_20 = arith.constant 64 : i32
    %scan3A_21 = arith.addi %scan3A_19, %scan3A_20 : i32
    %scan3A_22 = arith.constant 1 : i32
    scf.for %scan3A_94 = %scan3A_19 to %scan3A_21 step %scan3A_22  : i32 {
      %mul3A_95 = arith.constant 1 : i32
      %mul3A_96 = arith.muli %scan3A_94, %mul3A_95 : i32
      %add3A_97 = arith.constant 0 : i32
      %add3A_98 = arith.addi %add3A_97, %mul3A_96 : i32
      %swap3A = arith.index_cast %add3A_98 : i32 to index
      %swap3A_99 = arith.constant 0 : index
      %swap3A_100 = tpu.vector_load %arg7[%swap3A, %swap3A_99] {strides = array<i32>} : memref<64x128xf32, #tpu.memory_space<vmem>>, vector<1x16xf32>,
      %swap3A_101 = vector.shape_cast %swap3A_100 : vector<1x16xf32> to vector<16xf32>
      %swap3A_102 = vector.shape_cast %broadcast_in_dim3A_9 : vector<16xf32> to vector<1x16xf32>
      tpu.vector_store %arg7[%swap3A, %swap3A_99], %swap3A_102 {strides = array<i32>} : memref<64x128xf32, #tpu.memory_space<vmem>>, vector<1x16xf32>,
      %swap3A_103 = arith.index_cast %add3A_98 : i32 to index
      %swap3A_104 = arith.constant 16 : index
      %swap3A_105 = tpu.vector_load %arg7[%swap3A_103, %swap3A_104] {strides = array<i32>} : memref<64x128xf32, #tpu.memory_space<vmem>>, vector<1x16xf32>,
      %swap3A_106 = vector.shape_cast %swap3A_105 : vector<1x16xf32> to vector<16xf32>
      %swap3A_107 = vector.shape_cast %broadcast_in_dim3A_9 : vector<16xf32> to vector<1x16xf32>
      tpu.vector_store %arg7[%swap3A_103, %swap3A_104], %swap3A_107 {strides = array<i32>} : memref<64x128xf32, #tpu.memory_space<vmem>>, vector<1x16xf32>,
      %swap3A_108 = arith.index_cast %add3A_98 : i32 to index
      %swap3A_109 = arith.constant 32 : index
      %swap3A_110 = tpu.vector_load %arg7[%swap3A_108, %swap3A_109] {strides = array<i32>} : memref<64x128xf32, #tpu.memory_space<vmem>>, vector<1x16xf32>,
      %swap3A_111 = vector.shape_cast %swap3A_110 : vector<1x16xf32> to vector<16xf32>
      %swap3A_112 = vector.shape_cast %broadcast_in_dim3A_9 : vector<16xf32> to vector<1x16xf32>
      tpu.vector_store %arg7[%swap3A_108, %swap3A_109], %swap3A_112 {strides = array<i32>} : memref<64x128xf32, #tpu.memory_space<vmem>>, vector<1x16xf32>,
      %swap3A_113 = arith.index_cast %add3A_98 : i32 to index
      %swap3A_114 = arith.constant 48 : index
      %swap3A_115 = tpu.vector_load %arg7[%swap3A_113, %swap3A_114] {strides = array<i32>} : memref<64x128xf32, #tpu.memory_space<vmem>>, vector<1x16xf32>,
      %swap3A_116 = vector.shape_cast %swap3A_115 : vector<1x16xf32> to vector<16xf32>
      %swap3A_117 = vector.shape_cast %broadcast_in_dim3A_9 : vector<16xf32> to vector<1x16xf32>
      tpu.vector_store %arg7[%swap3A_113, %swap3A_114], %swap3A_117 {strides = array<i32>} : memref<64x128xf32, #tpu.memory_space<vmem>>, vector<1x16xf32>,
      %swap3A_118 = arith.index_cast %add3A_98 : i32 to index
      %swap3A_119 = arith.constant 64 : index
      %swap3A_120 = tpu.vector_load %arg7[%swap3A_118, %swap3A_119] {strides = array<i32>} : memref<64x128xf32, #tpu.memory_space<vmem>>, vector<1x16xf32>,
      %swap3A_121 = vector.shape_cast %swap3A_120 : vector<1x16xf32> to vector<16xf32>
      %swap3A_122 = vector.shape_cast %broadcast_in_dim3A_9 : vector<16xf32> to vector<1x16xf32>
      tpu.vector_store %arg7[%swap3A_118, %swap3A_119], %swap3A_122 {strides = array<i32>} : memref<64x128xf32, #tpu.memory_space<vmem>>, vector<1x16xf32>,
      %swap3A_123 = arith.index_cast %add3A_98 : i32 to index
      %swap3A_124 = arith.constant 80 : index
      %swap3A_125 = tpu.vector_load %arg7[%swap3A_123, %swap3A_124] {strides = array<i32>} : memref<64x128xf32, #tpu.memory_space<vmem>>, vector<1x16xf32>,
      %swap3A_126 = vector.shape_cast %swap3A_125 : vector<1x16xf32> to vector<16xf32>
      %swap3A_127 = vector.shape_cast %broadcast_in_dim3A_9 : vector<16xf32> to vector<1x16xf32>
      tpu.vector_store %arg7[%swap3A_123, %swap3A_124], %swap3A_127 {strides = array<i32>} : memref<64x128xf32, #tpu.memory_space<vmem>>, vector<1x16xf32>,
      %swap3A_128 = arith.index_cast %add3A_98 : i32 to index
      %swap3A_129 = arith.constant 96 : index
      %swap3A_130 = tpu.vector_load %arg7[%swap3A_128, %swap3A_129] {strides = array<i32>} : memref<64x128xf32, #tpu.memory_space<vmem>>, vector<1x16xf32>,
      %swap3A_131 = vector.shape_cast %swap3A_130 : vector<1x16xf32> to vector<16xf32>
      %swap3A_132 = vector.shape_cast %broadcast_in_dim3A_9 : vector<16xf32> to vector<1x16xf32>
      tpu.vector_store %arg7[%swap3A_128, %swap3A_129], %swap3A_132 {strides = array<i32>} : memref<64x128xf32, #tpu.memory_space<vmem>>, vector<1x16xf32>,
      %swap3A_133 = arith.index_cast %add3A_98 : i32 to index
      %swap3A_134 = arith.constant 112 : index
      %swap3A_135 = tpu.vector_load %arg7[%swap3A_133, %swap3A_134] {strides = array<i32>} : memref<64x128xf32, #tpu.memory_space<vmem>>, vector<1x16xf32>,
      %swap3A_136 = vector.shape_cast %swap3A_135 : vector<1x16xf32> to vector<16xf32>
      %swap3A_137 = vector.shape_cast %broadcast_in_dim3A_9 : vector<16xf32> to vector<1x16xf32>
      tpu.vector_store %arg7[%swap3A_133, %swap3A_134], %swap3A_137 {strides = array<i32>} : memref<64x128xf32, #tpu.memory_space<vmem>>, vector<1x16xf32>,
    }
    %scan3A_23 = arith.constant 64 : i32
    %scan3A_24 = arith.constant 0 : i32
    %scan3A_25 = arith.constant 32 : i32
    %scan3A_26 = arith.addi %scan3A_24, %scan3A_25 : i32
    %scan3A_27 = arith.constant 1 : i32
    scf.for %scan3A_94 = %scan3A_24 to %scan3A_26 step %scan3A_27  : i32 {
      %mul3A_95 = arith.constant 1 : i32
      %mul3A_96 = arith.muli %scan3A_94, %mul3A_95 : i32
      %add3A_97 = arith.constant 0 : i32
      %add3A_98 = arith.addi %add3A_97, %mul3A_96 : i32
      %add3A_99 = arith.constant 32 : i32
      %add3A_100 = arith.addi %add3A_99, %add3A_98 : i32
      %dma_start3A = arith.constant 0 : i32
      %dma_start3A_101 = tpu.memref_slice %arg5[%add3A_100, %dma_start3A] : memref<160x64xi32, #tpu.memory_space<vmem>> -> memref<1x64xi32, #tpu.memory_space<vmem>>
      %dma_start3A_102 = tpu.memref_squeeze %dma_start3A_101 : memref<1x64xi32, #tpu.memory_space<vmem>> -> memref<64xi32, #tpu.memory_space<vmem>>
      %dma_start3A_103 = arith.constant 0 : i32
      %dma_start3A_104 = arith.constant 0 : i32
      %dma_start3A_105 = tpu.memref_slice %arg8[%dma_start3A_103, %dma_start3A_104] : memref<10000x128xf32, #tpu.memory_space<vmem_shared>> -> memref<10000x128xf32, #tpu.memory_space<vmem_shared>>
      tpu.enqueue_indirect_dma source(%dma_start3A_105 : memref<10000x128xf32, #tpu.memory_space<vmem_shared>>) target(%arg7 : memref<64x128xf32, #tpu.memory_space<vmem>>) offsets(%dma_start3A_102 : memref<64xi32, #tpu.memory_space<vmem>>) semaphore(%arg10 : memref<!tpu.dma_semaphore, #tpu.memory_space<semaphore_mem>>) {add = true}
    }
    %scan3A_28 = arith.constant 32 : i32
    %scan3A_29 = arith.constant 0 : i32
    %scan3A_30 = arith.constant 32 : i32
    %scan3A_31 = arith.addi %scan3A_29, %scan3A_30 : i32
    %scan3A_32 = arith.constant 1 : i32
    scf.for %scan3A_94 = %scan3A_29 to %scan3A_31 step %scan3A_32  : i32 {
      %mul3A_95 = arith.constant 1 : i32
      %mul3A_96 = arith.muli %scan3A_94, %mul3A_95 : i32
      %add3A_97 = arith.constant 0 : i32
      %add3A_98 = arith.addi %add3A_97, %mul3A_96 : i32
      %dma_wait3A = arith.constant 0 : i32
      %dma_wait3A_99 = arith.constant 0 : i32
      %dma_wait3A_100 = tpu.memref_slice %arg5[%dma_wait3A, %dma_wait3A_99] : memref<160x64xi32, #tpu.memory_space<vmem>> -> memref<1x64xi32, #tpu.memory_space<vmem>>
      %dma_wait3A_101 = tpu.memref_squeeze %dma_wait3A_100 : memref<1x64xi32, #tpu.memory_space<vmem>> -> memref<64xi32, #tpu.memory_space<vmem>>
      %dma_wait3A_102 = arith.constant 0 : i32
      %dma_wait3A_103 = arith.constant 0 : i32
      %dma_wait3A_104 = tpu.memref_slice %arg8[%dma_wait3A_102, %dma_wait3A_103] : memref<10000x128xf32, #tpu.memory_space<vmem_shared>> -> memref<10000x128xf32, #tpu.memory_space<vmem_shared>>
      tpu.wait_indirect_dma semaphore(%arg9 : memref<!tpu.dma_semaphore, #tpu.memory_space<semaphore_mem>>) src(%dma_wait3A_104 : memref<10000x128xf32, #tpu.memory_space<vmem_shared>>) dst(%arg6 : memref<64x128xf32, #tpu.memory_space<vmem>>)
    }
    %scan3A_33 = arith.constant 32 : i32
    %add3A_34 = arith.constant 0 : i32
    %add3A_35 = arith.addi %mul3A_2, %add3A_34 : i32
    "tpu.region"() ({
      %run_scoped3A = tpu.sem_alloc : memref<!tpu.dma_semaphore, #tpu.memory_space<semaphore_mem>>
      %dma_start3A = arith.constant 0 : i32
      %dma_start3A_94 = tpu.memref_slice %arg4[%add3A_35, %dma_start3A] : memref<10240x128xf32, #tpu.memory_space<hbm>> -> memref<64x128xf32, #tpu.memory_space<hbm>>
      %dma_start3A_95 = arith.constant 0 : i32
      %dma_start3A_96 = tpu.memref_slice %arg4[%add3A_35, %dma_start3A_95] : memref<10240x128xf32, #tpu.memory_space<hbm>> -> memref<64x128xf32, #tpu.memory_space<hbm>>
      tpu.enqueue_dma source(%arg6 : memref<64x128xf32, #tpu.memory_space<vmem>>) target(%dma_start3A_96 : memref<64x128xf32, #tpu.memory_space<hbm>>) target_semaphore(%run_scoped3A : memref<!tpu.dma_semaphore, #tpu.memory_space<semaphore_mem>>)
      %dma_wait3A = arith.constant 0 : i32
      %dma_wait3A_97 = tpu.memref_slice %arg4[%add3A_35, %dma_wait3A] : memref<10240x128xf32, #tpu.memory_space<hbm>> -> memref<64x128xf32, #tpu.memory_space<hbm>>
      %dma_wait3A_98 = arith.constant 0 : i32
      %dma_wait3A_99 = tpu.memref_slice %arg4[%add3A_35, %dma_wait3A_98] : memref<10240x128xf32, #tpu.memory_space<hbm>> -> memref<64x128xf32, #tpu.memory_space<hbm>>
      tpu.wait_dma2 semaphore(%run_scoped3A : memref<!tpu.dma_semaphore, #tpu.memory_space<semaphore_mem>>) src(%arg6 : memref<64x128xf32, #tpu.memory_space<vmem>>) dst(%dma_wait3A_99 : memref<64x128xf32, #tpu.memory_space<hbm>>)
      tpu.yield
    }) : () -> ()
    %scan3A_36 = arith.constant 0 : i32
    %scan3A_37 = arith.constant 64 : i32
    %scan3A_38 = arith.addi %scan3A_36, %scan3A_37 : i32
    %scan3A_39 = arith.constant 1 : i32
    scf.for %scan3A_94 = %scan3A_36 to %scan3A_38 step %scan3A_39  : i32 {
      %mul3A_95 = arith.constant 1 : i32
      %mul3A_96 = arith.muli %scan3A_94, %mul3A_95 : i32
      %add3A_97 = arith.constant 0 : i32
      %add3A_98 = arith.addi %add3A_97, %mul3A_96 : i32
      %swap3A = arith.index_cast %add3A_98 : i32 to index
      %swap3A_99 = arith.constant 0 : index
      %swap3A_100 = tpu.vector_load %arg6[%swap3A, %swap3A_99] {strides = array<i32>} : memref<64x128xf32, #tpu.memory_space<vmem>>, vector<1x16xf32>,
      %swap3A_101 = vector.shape_cast %swap3A_100 : vector<1x16xf32> to vector<16xf32>
      %swap3A_102 = vector.shape_cast %broadcast_in_dim3A_9 : vector<16xf32> to vector<1x16xf32>
      tpu.vector_store %arg6[%swap3A, %swap3A_99], %swap3A_102 {strides = array<i32>} : memref<64x128xf32, #tpu.memory_space<vmem>>, vector<1x16xf32>,
      %swap3A_103 = arith.index_cast %add3A_98 : i32 to index
      %swap3A_104 = arith.constant 16 : index
      %swap3A_105 = tpu.vector_load %arg6[%swap3A_103, %swap3A_104] {strides = array<i32>} : memref<64x128xf32, #tpu.memory_space<vmem>>, vector<1x16xf32>,
      %swap3A_106 = vector.shape_cast %swap3A_105 : vector<1x16xf32> to vector<16xf32>
      %swap3A_107 = vector.shape_cast %broadcast_in_dim3A_9 : vector<16xf32> to vector<1x16xf32>
      tpu.vector_store %arg6[%swap3A_103, %swap3A_104], %swap3A_107 {strides = array<i32>} : memref<64x128xf32, #tpu.memory_space<vmem>>, vector<1x16xf32>,
      %swap3A_108 = arith.index_cast %add3A_98 : i32 to index
      %swap3A_109 = arith.constant 32 : index
      %swap3A_110 = tpu.vector_load %arg6[%swap3A_108, %swap3A_109] {strides = array<i32>} : memref<64x128xf32, #tpu.memory_space<vmem>>, vector<1x16xf32>,
      %swap3A_111 = vector.shape_cast %swap3A_110 : vector<1x16xf32> to vector<16xf32>
      %swap3A_112 = vector.shape_cast %broadcast_in_dim3A_9 : vector<16xf32> to vector<1x16xf32>
      tpu.vector_store %arg6[%swap3A_108, %swap3A_109], %swap3A_112 {strides = array<i32>} : memref<64x128xf32, #tpu.memory_space<vmem>>, vector<1x16xf32>,
      %swap3A_113 = arith.index_cast %add3A_98 : i32 to index
      %swap3A_114 = arith.constant 48 : index
      %swap3A_115 = tpu.vector_load %arg6[%swap3A_113, %swap3A_114] {strides = array<i32>} : memref<64x128xf32, #tpu.memory_space<vmem>>, vector<1x16xf32>,
      %swap3A_116 = vector.shape_cast %swap3A_115 : vector<1x16xf32> to vector<16xf32>
      %swap3A_117 = vector.shape_cast %broadcast_in_dim3A_9 : vector<16xf32> to vector<1x16xf32>
      tpu.vector_store %arg6[%swap3A_113, %swap3A_114], %swap3A_117 {strides = array<i32>} : memref<64x128xf32, #tpu.memory_space<vmem>>, vector<1x16xf32>,
      %swap3A_118 = arith.index_cast %add3A_98 : i32 to index
      %swap3A_119 = arith.constant 64 : index
      %swap3A_120 = tpu.vector_load %arg6[%swap3A_118, %swap3A_119] {strides = array<i32>} : memref<64x128xf32, #tpu.memory_space<vmem>>, vector<1x16xf32>,
      %swap3A_121 = vector.shape_cast %swap3A_120 : vector<1x16xf32> to vector<16xf32>
      %swap3A_122 = vector.shape_cast %broadcast_in_dim3A_9 : vector<16xf32> to vector<1x16xf32>
      tpu.vector_store %arg6[%swap3A_118, %swap3A_119], %swap3A_122 {strides = array<i32>} : memref<64x128xf32, #tpu.memory_space<vmem>>, vector<1x16xf32>,
      %swap3A_123 = arith.index_cast %add3A_98 : i32 to index
      %swap3A_124 = arith.constant 80 : index
      %swap3A_125 = tpu.vector_load %arg6[%swap3A_123, %swap3A_124] {strides = array<i32>} : memref<64x128xf32, #tpu.memory_space<vmem>>, vector<1x16xf32>,
      %swap3A_126 = vector.shape_cast %swap3A_125 : vector<1x16xf32> to vector<16xf32>
      %swap3A_127 = vector.shape_cast %broadcast_in_dim3A_9 : vector<16xf32> to vector<1x16xf32>
      tpu.vector_store %arg6[%swap3A_123, %swap3A_124], %swap3A_127 {strides = array<i32>} : memref<64x128xf32, #tpu.memory_space<vmem>>, vector<1x16xf32>,
      %swap3A_128 = arith.index_cast %add3A_98 : i32 to index
      %swap3A_129 = arith.constant 96 : index
      %swap3A_130 = tpu.vector_load %arg6[%swap3A_128, %swap3A_129] {strides = array<i32>} : memref<64x128xf32, #tpu.memory_space<vmem>>, vector<1x16xf32>,
      %swap3A_131 = vector.shape_cast %swap3A_130 : vector<1x16xf32> to vector<16xf32>
      %swap3A_132 = vector.shape_cast %broadcast_in_dim3A_9 : vector<16xf32> to vector<1x16xf32>
      tpu.vector_store %arg6[%swap3A_128, %swap3A_129], %swap3A_132 {strides = array<i32>} : memref<64x128xf32, #tpu.memory_space<vmem>>, vector<1x16xf32>,
      %swap3A_133 = arith.index_cast %add3A_98 : i32 to index
      %swap3A_134 = arith.constant 112 : index
      %swap3A_135 = tpu.vector_load %arg6[%swap3A_133, %swap3A_134] {strides = array<i32>} : memref<64x128xf32, #tpu.memory_space<vmem>>, vector<1x16xf32>,
      %swap3A_136 = vector.shape_cast %swap3A_135 : vector<1x16xf32> to vector<16xf32>
      %swap3A_137 = vector.shape_cast %broadcast_in_dim3A_9 : vector<16xf32> to vector<1x16xf32>
      tpu.vector_store %arg6[%swap3A_133, %swap3A_134], %swap3A_137 {strides = array<i32>} : memref<64x128xf32, #tpu.memory_space<vmem>>, vector<1x16xf32>,
    }
    %scan3A_40 = arith.constant 64 : i32
    %scan3A_41 = arith.constant 0 : i32
    %scan3A_42 = arith.constant 32 : i32
    %scan3A_43 = arith.addi %scan3A_41, %scan3A_42 : i32
    %scan3A_44 = arith.constant 1 : i32
    scf.for %scan3A_94 = %scan3A_41 to %scan3A_43 step %scan3A_44  : i32 {
      %mul3A_95 = arith.constant 1 : i32
      %mul3A_96 = arith.muli %scan3A_94, %mul3A_95 : i32
      %add3A_97 = arith.constant 0 : i32
      %add3A_98 = arith.addi %add3A_97, %mul3A_96 : i32
      %add3A_99 = arith.constant 64 : i32
      %add3A_100 = arith.addi %add3A_99, %add3A_98 : i32
      %dma_start3A = arith.constant 0 : i32
      %dma_start3A_101 = tpu.memref_slice %arg5[%add3A_100, %dma_start3A] : memref<160x64xi32, #tpu.memory_space<vmem>> -> memref<1x64xi32, #tpu.memory_space<vmem>>
      %dma_start3A_102 = tpu.memref_squeeze %dma_start3A_101 : memref<1x64xi32, #tpu.memory_space<vmem>> -> memref<64xi32, #tpu.memory_space<vmem>>
      %dma_start3A_103 = arith.constant 0 : i32
      %dma_start3A_104 = arith.constant 0 : i32
      %dma_start3A_105 = tpu.memref_slice %arg8[%dma_start3A_103, %dma_start3A_104] : memref<10000x128xf32, #tpu.memory_space<vmem_shared>> -> memref<10000x128xf32, #tpu.memory_space<vmem_shared>>
      tpu.enqueue_indirect_dma source(%dma_start3A_105 : memref<10000x128xf32, #tpu.memory_space<vmem_shared>>) target(%arg6 : memref<64x128xf32, #tpu.memory_space<vmem>>) offsets(%dma_start3A_102 : memref<64xi32, #tpu.memory_space<vmem>>) semaphore(%arg9 : memref<!tpu.dma_semaphore, #tpu.memory_space<semaphore_mem>>) {add = true}
    }
    %scan3A_45 = arith.constant 32 : i32
    %scan3A_46 = arith.constant 0 : i32
    %scan3A_47 = arith.constant 32 : i32
    %scan3A_48 = arith.addi %scan3A_46, %scan3A_47 : i32
    %scan3A_49 = arith.constant 1 : i32
    scf.for %scan3A_94 = %scan3A_46 to %scan3A_48 step %scan3A_49  : i32 {
      %mul3A_95 = arith.constant 1 : i32
      %mul3A_96 = arith.muli %scan3A_94, %mul3A_95 : i32
      %add3A_97 = arith.constant 0 : i32
      %add3A_98 = arith.addi %add3A_97, %mul3A_96 : i32
      %dma_wait3A = arith.constant 0 : i32
      %dma_wait3A_99 = arith.constant 0 : i32
      %dma_wait3A_100 = tpu.memref_slice %arg5[%dma_wait3A, %dma_wait3A_99] : memref<160x64xi32, #tpu.memory_space<vmem>> -> memref<1x64xi32, #tpu.memory_space<vmem>>
      %dma_wait3A_101 = tpu.memref_squeeze %dma_wait3A_100 : memref<1x64xi32, #tpu.memory_space<vmem>> -> memref<64xi32, #tpu.memory_space<vmem>>
      %dma_wait3A_102 = arith.constant 0 : i32
      %dma_wait3A_103 = arith.constant 0 : i32
      %dma_wait3A_104 = tpu.memref_slice %arg8[%dma_wait3A_102, %dma_wait3A_103] : memref<10000x128xf32, #tpu.memory_space<vmem_shared>> -> memref<10000x128xf32, #tpu.memory_space<vmem_shared>>
      tpu.wait_indirect_dma semaphore(%arg10 : memref<!tpu.dma_semaphore, #tpu.memory_space<semaphore_mem>>) src(%dma_wait3A_104 : memref<10000x128xf32, #tpu.memory_space<vmem_shared>>) dst(%arg7 : memref<64x128xf32, #tpu.memory_space<vmem>>)
    }
    %scan3A_50 = arith.constant 32 : i32
    %add3A_51 = arith.constant 64 : i32
    %add3A_52 = arith.addi %mul3A_2, %add3A_51 : i32
    "tpu.region"() ({
      %run_scoped3A = tpu.sem_alloc : memref<!tpu.dma_semaphore, #tpu.memory_space<semaphore_mem>>
      %dma_start3A = arith.constant 0 : i32
      %dma_start3A_94 = tpu.memref_slice %arg4[%add3A_52, %dma_start3A] : memref<10240x128xf32, #tpu.memory_space<hbm>> -> memref<64x128xf32, #tpu.memory_space<hbm>>
      %dma_start3A_95 = arith.constant 0 : i32
      %dma_start3A_96 = tpu.memref_slice %arg4[%add3A_52, %dma_start3A_95] : memref<10240x128xf32, #tpu.memory_space<hbm>> -> memref<64x128xf32, #tpu.memory_space<hbm>>
      tpu.enqueue_dma source(%arg7 : memref<64x128xf32, #tpu.memory_space<vmem>>) target(%dma_start3A_96 : memref<64x128xf32, #tpu.memory_space<hbm>>) target_semaphore(%run_scoped3A : memref<!tpu.dma_semaphore, #tpu.memory_space<semaphore_mem>>)
      %dma_wait3A = arith.constant 0 : i32
      %dma_wait3A_97 = tpu.memref_slice %arg4[%add3A_52, %dma_wait3A] : memref<10240x128xf32, #tpu.memory_space<hbm>> -> memref<64x128xf32, #tpu.memory_space<hbm>>
      %dma_wait3A_98 = arith.constant 0 : i32
      %dma_wait3A_99 = tpu.memref_slice %arg4[%add3A_52, %dma_wait3A_98] : memref<10240x128xf32, #tpu.memory_space<hbm>> -> memref<64x128xf32, #tpu.memory_space<hbm>>
      tpu.wait_dma2 semaphore(%run_scoped3A : memref<!tpu.dma_semaphore, #tpu.memory_space<semaphore_mem>>) src(%arg7 : memref<64x128xf32, #tpu.memory_space<vmem>>) dst(%dma_wait3A_99 : memref<64x128xf32, #tpu.memory_space<hbm>>)
      tpu.yield
    }) : () -> ()
    %scan3A_53 = arith.constant 0 : i32
    %scan3A_54 = arith.constant 64 : i32
    %scan3A_55 = arith.addi %scan3A_53, %scan3A_54 : i32
    %scan3A_56 = arith.constant 1 : i32
    scf.for %scan3A_94 = %scan3A_53 to %scan3A_55 step %scan3A_56  : i32 {
      %mul3A_95 = arith.constant 1 : i32
      %mul3A_96 = arith.muli %scan3A_94, %mul3A_95 : i32
      %add3A_97 = arith.constant 0 : i32
      %add3A_98 = arith.addi %add3A_97, %mul3A_96 : i32
      %swap3A = arith.index_cast %add3A_98 : i32 to index
      %swap3A_99 = arith.constant 0 : index
      %swap3A_100 = tpu.vector_load %arg7[%swap3A, %swap3A_99] {strides = array<i32>} : memref<64x128xf32, #tpu.memory_space<vmem>>, vector<1x16xf32>,
      %swap3A_101 = vector.shape_cast %swap3A_100 : vector<1x16xf32> to vector<16xf32>
      %swap3A_102 = vector.shape_cast %broadcast_in_dim3A_9 : vector<16xf32> to vector<1x16xf32>
      tpu.vector_store %arg7[%swap3A, %swap3A_99], %swap3A_102 {strides = array<i32>} : memref<64x128xf32, #tpu.memory_space<vmem>>, vector<1x16xf32>,
      %swap3A_103 = arith.index_cast %add3A_98 : i32 to index
      %swap3A_104 = arith.constant 16 : index
      %swap3A_105 = tpu.vector_load %arg7[%swap3A_103, %swap3A_104] {strides = array<i32>} : memref<64x128xf32, #tpu.memory_space<vmem>>, vector<1x16xf32>,
      %swap3A_106 = vector.shape_cast %swap3A_105 : vector<1x16xf32> to vector<16xf32>
      %swap3A_107 = vector.shape_cast %broadcast_in_dim3A_9 : vector<16xf32> to vector<1x16xf32>
      tpu.vector_store %arg7[%swap3A_103, %swap3A_104], %swap3A_107 {strides = array<i32>} : memref<64x128xf32, #tpu.memory_space<vmem>>, vector<1x16xf32>,
      %swap3A_108 = arith.index_cast %add3A_98 : i32 to index
      %swap3A_109 = arith.constant 32 : index
      %swap3A_110 = tpu.vector_load %arg7[%swap3A_108, %swap3A_109] {strides = array<i32>} : memref<64x128xf32, #tpu.memory_space<vmem>>, vector<1x16xf32>,
      %swap3A_111 = vector.shape_cast %swap3A_110 : vector<1x16xf32> to vector<16xf32>
      %swap3A_112 = vector.shape_cast %broadcast_in_dim3A_9 : vector<16xf32> to vector<1x16xf32>
      tpu.vector_store %arg7[%swap3A_108, %swap3A_109], %swap3A_112 {strides = array<i32>} : memref<64x128xf32, #tpu.memory_space<vmem>>, vector<1x16xf32>,
      %swap3A_113 = arith.index_cast %add3A_98 : i32 to index
      %swap3A_114 = arith.constant 48 : index
      %swap3A_115 = tpu.vector_load %arg7[%swap3A_113, %swap3A_114] {strides = array<i32>} : memref<64x128xf32, #tpu.memory_space<vmem>>, vector<1x16xf32>,
      %swap3A_116 = vector.shape_cast %swap3A_115 : vector<1x16xf32> to vector<16xf32>
      %swap3A_117 = vector.shape_cast %broadcast_in_dim3A_9 : vector<16xf32> to vector<1x16xf32>
      tpu.vector_store %arg7[%swap3A_113, %swap3A_114], %swap3A_117 {strides = array<i32>} : memref<64x128xf32, #tpu.memory_space<vmem>>, vector<1x16xf32>,
      %swap3A_118 = arith.index_cast %add3A_98 : i32 to index
      %swap3A_119 = arith.constant 64 : index
      %swap3A_120 = tpu.vector_load %arg7[%swap3A_118, %swap3A_119] {strides = array<i32>} : memref<64x128xf32, #tpu.memory_space<vmem>>, vector<1x16xf32>,
      %swap3A_121 = vector.shape_cast %swap3A_120 : vector<1x16xf32> to vector<16xf32>
      %swap3A_122 = vector.shape_cast %broadcast_in_dim3A_9 : vector<16xf32> to vector<1x16xf32>
      tpu.vector_store %arg7[%swap3A_118, %swap3A_119], %swap3A_122 {strides = array<i32>} : memref<64x128xf32, #tpu.memory_space<vmem>>, vector<1x16xf32>,
      %swap3A_123 = arith.index_cast %add3A_98 : i32 to index
      %swap3A_124 = arith.constant 80 : index
      %swap3A_125 = tpu.vector_load %arg7[%swap3A_123, %swap3A_124] {strides = array<i32>} : memref<64x128xf32, #tpu.memory_space<vmem>>, vector<1x16xf32>,
      %swap3A_126 = vector.shape_cast %swap3A_125 : vector<1x16xf32> to vector<16xf32>
      %swap3A_127 = vector.shape_cast %broadcast_in_dim3A_9 : vector<16xf32> to vector<1x16xf32>
      tpu.vector_store %arg7[%swap3A_123, %swap3A_124], %swap3A_127 {strides = array<i32>} : memref<64x128xf32, #tpu.memory_space<vmem>>, vector<1x16xf32>,
      %swap3A_128 = arith.index_cast %add3A_98 : i32 to index
      %swap3A_129 = arith.constant 96 : index
      %swap3A_130 = tpu.vector_load %arg7[%swap3A_128, %swap3A_129] {strides = array<i32>} : memref<64x128xf32, #tpu.memory_space<vmem>>, vector<1x16xf32>,
      %swap3A_131 = vector.shape_cast %swap3A_130 : vector<1x16xf32> to vector<16xf32>
      %swap3A_132 = vector.shape_cast %broadcast_in_dim3A_9 : vector<16xf32> to vector<1x16xf32>
      tpu.vector_store %arg7[%swap3A_128, %swap3A_129], %swap3A_132 {strides = array<i32>} : memref<64x128xf32, #tpu.memory_space<vmem>>, vector<1x16xf32>,
      %swap3A_133 = arith.index_cast %add3A_98 : i32 to index
      %swap3A_134 = arith.constant 112 : index
      %swap3A_135 = tpu.vector_load %arg7[%swap3A_133, %swap3A_134] {strides = array<i32>} : memref<64x128xf32, #tpu.memory_space<vmem>>, vector<1x16xf32>,
      %swap3A_136 = vector.shape_cast %swap3A_135 : vector<1x16xf32> to vector<16xf32>
      %swap3A_137 = vector.shape_cast %broadcast_in_dim3A_9 : vector<16xf32> to vector<1x16xf32>
      tpu.vector_store %arg7[%swap3A_133, %swap3A_134], %swap3A_137 {strides = array<i32>} : memref<64x128xf32, #tpu.memory_space<vmem>>, vector<1x16xf32>,
    }
    %scan3A_57 = arith.constant 64 : i32
    %scan3A_58 = arith.constant 0 : i32
    %scan3A_59 = arith.constant 32 : i32
    %scan3A_60 = arith.addi %scan3A_58, %scan3A_59 : i32
    %scan3A_61 = arith.constant 1 : i32
    scf.for %scan3A_94 = %scan3A_58 to %scan3A_60 step %scan3A_61  : i32 {
      %mul3A_95 = arith.constant 1 : i32
      %mul3A_96 = arith.muli %scan3A_94, %mul3A_95 : i32
      %add3A_97 = arith.constant 0 : i32
      %add3A_98 = arith.addi %add3A_97, %mul3A_96 : i32
      %add3A_99 = arith.constant 96 : i32
      %add3A_100 = arith.addi %add3A_99, %add3A_98 : i32
      %dma_start3A = arith.constant 0 : i32
      %dma_start3A_101 = tpu.memref_slice %arg5[%add3A_100, %dma_start3A] : memref<160x64xi32, #tpu.memory_space<vmem>> -> memref<1x64xi32, #tpu.memory_space<vmem>>
      %dma_start3A_102 = tpu.memref_squeeze %dma_start3A_101 : memref<1x64xi32, #tpu.memory_space<vmem>> -> memref<64xi32, #tpu.memory_space<vmem>>
      %dma_start3A_103 = arith.constant 0 : i32
      %dma_start3A_104 = arith.constant 0 : i32
      %dma_start3A_105 = tpu.memref_slice %arg8[%dma_start3A_103, %dma_start3A_104] : memref<10000x128xf32, #tpu.memory_space<vmem_shared>> -> memref<10000x128xf32, #tpu.memory_space<vmem_shared>>
      tpu.enqueue_indirect_dma source(%dma_start3A_105 : memref<10000x128xf32, #tpu.memory_space<vmem_shared>>) target(%arg7 : memref<64x128xf32, #tpu.memory_space<vmem>>) offsets(%dma_start3A_102 : memref<64xi32, #tpu.memory_space<vmem>>) semaphore(%arg10 : memref<!tpu.dma_semaphore, #tpu.memory_space<semaphore_mem>>) {add = true}
    }
    %scan3A_62 = arith.constant 32 : i32
    %scan3A_63 = arith.constant 0 : i32
    %scan3A_64 = arith.constant 32 : i32
    %scan3A_65 = arith.addi %scan3A_63, %scan3A_64 : i32
    %scan3A_66 = arith.constant 1 : i32
    scf.for %scan3A_94 = %scan3A_63 to %scan3A_65 step %scan3A_66  : i32 {
      %mul3A_95 = arith.constant 1 : i32
      %mul3A_96 = arith.muli %scan3A_94, %mul3A_95 : i32
      %add3A_97 = arith.constant 0 : i32
      %add3A_98 = arith.addi %add3A_97, %mul3A_96 : i32
      %dma_wait3A = arith.constant 0 : i32
      %dma_wait3A_99 = arith.constant 0 : i32
      %dma_wait3A_100 = tpu.memref_slice %arg5[%dma_wait3A, %dma_wait3A_99] : memref<160x64xi32, #tpu.memory_space<vmem>> -> memref<1x64xi32, #tpu.memory_space<vmem>>
      %dma_wait3A_101 = tpu.memref_squeeze %dma_wait3A_100 : memref<1x64xi32, #tpu.memory_space<vmem>> -> memref<64xi32, #tpu.memory_space<vmem>>
      %dma_wait3A_102 = arith.constant 0 : i32
      %dma_wait3A_103 = arith.constant 0 : i32
      %dma_wait3A_104 = tpu.memref_slice %arg8[%dma_wait3A_102, %dma_wait3A_103] : memref<10000x128xf32, #tpu.memory_space<vmem_shared>> -> memref<10000x128xf32, #tpu.memory_space<vmem_shared>>
      tpu.wait_indirect_dma semaphore(%arg9 : memref<!tpu.dma_semaphore, #tpu.memory_space<semaphore_mem>>) src(%dma_wait3A_104 : memref<10000x128xf32, #tpu.memory_space<vmem_shared>>) dst(%arg6 : memref<64x128xf32, #tpu.memory_space<vmem>>)
    }
    %scan3A_67 = arith.constant 32 : i32
    %add3A_68 = arith.constant 128 : i32
    %add3A_69 = arith.addi %mul3A_2, %add3A_68 : i32
    "tpu.region"() ({
      %run_scoped3A = tpu.sem_alloc : memref<!tpu.dma_semaphore, #tpu.memory_space<semaphore_mem>>
      %dma_start3A = arith.constant 0 : i32
      %dma_start3A_94 = tpu.memref_slice %arg4[%add3A_69, %dma_start3A] : memref<10240x128xf32, #tpu.memory_space<hbm>> -> memref<64x128xf32, #tpu.memory_space<hbm>>
      %dma_start3A_95 = arith.constant 0 : i32
      %dma_start3A_96 = tpu.memref_slice %arg4[%add3A_69, %dma_start3A_95] : memref<10240x128xf32, #tpu.memory_space<hbm>> -> memref<64x128xf32, #tpu.memory_space<hbm>>
      tpu.enqueue_dma source(%arg6 : memref<64x128xf32, #tpu.memory_space<vmem>>) target(%dma_start3A_96 : memref<64x128xf32, #tpu.memory_space<hbm>>) target_semaphore(%run_scoped3A : memref<!tpu.dma_semaphore, #tpu.memory_space<semaphore_mem>>)
      %dma_wait3A = arith.constant 0 : i32
      %dma_wait3A_97 = tpu.memref_slice %arg4[%add3A_69, %dma_wait3A] : memref<10240x128xf32, #tpu.memory_space<hbm>> -> memref<64x128xf32, #tpu.memory_space<hbm>>
      %dma_wait3A_98 = arith.constant 0 : i32
      %dma_wait3A_99 = tpu.memref_slice %arg4[%add3A_69, %dma_wait3A_98] : memref<10240x128xf32, #tpu.memory_space<hbm>> -> memref<64x128xf32, #tpu.memory_space<hbm>>
      tpu.wait_dma2 semaphore(%run_scoped3A : memref<!tpu.dma_semaphore, #tpu.memory_space<semaphore_mem>>) src(%arg6 : memref<64x128xf32, #tpu.memory_space<vmem>>) dst(%dma_wait3A_99 : memref<64x128xf32, #tpu.memory_space<hbm>>)
      tpu.yield
    }) : () -> ()
    %scan3A_70 = arith.constant 0 : i32
    %scan3A_71 = arith.constant 64 : i32
    %scan3A_72 = arith.addi %scan3A_70, %scan3A_71 : i32
    %scan3A_73 = arith.constant 1 : i32
    scf.for %scan3A_94 = %scan3A_70 to %scan3A_72 step %scan3A_73  : i32 {
      %mul3A_95 = arith.constant 1 : i32
      %mul3A_96 = arith.muli %scan3A_94, %mul3A_95 : i32
      %add3A_97 = arith.constant 0 : i32
      %add3A_98 = arith.addi %add3A_97, %mul3A_96 : i32
      %swap3A = arith.index_cast %add3A_98 : i32 to index
      %swap3A_99 = arith.constant 0 : index
      %swap3A_100 = tpu.vector_load %arg6[%swap3A, %swap3A_99] {strides = array<i32>} : memref<64x128xf32, #tpu.memory_space<vmem>>, vector<1x16xf32>,
      %swap3A_101 = vector.shape_cast %swap3A_100 : vector<1x16xf32> to vector<16xf32>
      %swap3A_102 = vector.shape_cast %broadcast_in_dim3A_9 : vector<16xf32> to vector<1x16xf32>
      tpu.vector_store %arg6[%swap3A, %swap3A_99], %swap3A_102 {strides = array<i32>} : memref<64x128xf32, #tpu.memory_space<vmem>>, vector<1x16xf32>,
      %swap3A_103 = arith.index_cast %add3A_98 : i32 to index
      %swap3A_104 = arith.constant 16 : index
      %swap3A_105 = tpu.vector_load %arg6[%swap3A_103, %swap3A_104] {strides = array<i32>} : memref<64x128xf32, #tpu.memory_space<vmem>>, vector<1x16xf32>,
      %swap3A_106 = vector.shape_cast %swap3A_105 : vector<1x16xf32> to vector<16xf32>
      %swap3A_107 = vector.shape_cast %broadcast_in_dim3A_9 : vector<16xf32> to vector<1x16xf32>
      tpu.vector_store %arg6[%swap3A_103, %swap3A_104], %swap3A_107 {strides = array<i32>} : memref<64x128xf32, #tpu.memory_space<vmem>>, vector<1x16xf32>,
      %swap3A_108 = arith.index_cast %add3A_98 : i32 to index
      %swap3A_109 = arith.constant 32 : index
      %swap3A_110 = tpu.vector_load %arg6[%swap3A_108, %swap3A_109] {strides = array<i32>} : memref<64x128xf32, #tpu.memory_space<vmem>>, vector<1x16xf32>,
      %swap3A_111 = vector.shape_cast %swap3A_110 : vector<1x16xf32> to vector<16xf32>
      %swap3A_112 = vector.shape_cast %broadcast_in_dim3A_9 : vector<16xf32> to vector<1x16xf32>
      tpu.vector_store %arg6[%swap3A_108, %swap3A_109], %swap3A_112 {strides = array<i32>} : memref<64x128xf32, #tpu.memory_space<vmem>>, vector<1x16xf32>,
      %swap3A_113 = arith.index_cast %add3A_98 : i32 to index
      %swap3A_114 = arith.constant 48 : index
      %swap3A_115 = tpu.vector_load %arg6[%swap3A_113, %swap3A_114] {strides = array<i32>} : memref<64x128xf32, #tpu.memory_space<vmem>>, vector<1x16xf32>,
      %swap3A_116 = vector.shape_cast %swap3A_115 : vector<1x16xf32> to vector<16xf32>
      %swap3A_117 = vector.shape_cast %broadcast_in_dim3A_9 : vector<16xf32> to vector<1x16xf32>
      tpu.vector_store %arg6[%swap3A_113, %swap3A_114], %swap3A_117 {strides = array<i32>} : memref<64x128xf32, #tpu.memory_space<vmem>>, vector<1x16xf32>,
      %swap3A_118 = arith.index_cast %add3A_98 : i32 to index
      %swap3A_119 = arith.constant 64 : index
      %swap3A_120 = tpu.vector_load %arg6[%swap3A_118, %swap3A_119] {strides = array<i32>} : memref<64x128xf32, #tpu.memory_space<vmem>>, vector<1x16xf32>,
      %swap3A_121 = vector.shape_cast %swap3A_120 : vector<1x16xf32> to vector<16xf32>
      %swap3A_122 = vector.shape_cast %broadcast_in_dim3A_9 : vector<16xf32> to vector<1x16xf32>
      tpu.vector_store %arg6[%swap3A_118, %swap3A_119], %swap3A_122 {strides = array<i32>} : memref<64x128xf32, #tpu.memory_space<vmem>>, vector<1x16xf32>,
      %swap3A_123 = arith.index_cast %add3A_98 : i32 to index
      %swap3A_124 = arith.constant 80 : index
      %swap3A_125 = tpu.vector_load %arg6[%swap3A_123, %swap3A_124] {strides = array<i32>} : memref<64x128xf32, #tpu.memory_space<vmem>>, vector<1x16xf32>,
      %swap3A_126 = vector.shape_cast %swap3A_125 : vector<1x16xf32> to vector<16xf32>
      %swap3A_127 = vector.shape_cast %broadcast_in_dim3A_9 : vector<16xf32> to vector<1x16xf32>
      tpu.vector_store %arg6[%swap3A_123, %swap3A_124], %swap3A_127 {strides = array<i32>} : memref<64x128xf32, #tpu.memory_space<vmem>>, vector<1x16xf32>,
      %swap3A_128 = arith.index_cast %add3A_98 : i32 to index
      %swap3A_129 = arith.constant 96 : index
      %swap3A_130 = tpu.vector_load %arg6[%swap3A_128, %swap3A_129] {strides = array<i32>} : memref<64x128xf32, #tpu.memory_space<vmem>>, vector<1x16xf32>,
      %swap3A_131 = vector.shape_cast %swap3A_130 : vector<1x16xf32> to vector<16xf32>
      %swap3A_132 = vector.shape_cast %broadcast_in_dim3A_9 : vector<16xf32> to vector<1x16xf32>
      tpu.vector_store %arg6[%swap3A_128, %swap3A_129], %swap3A_132 {strides = array<i32>} : memref<64x128xf32, #tpu.memory_space<vmem>>, vector<1x16xf32>,
      %swap3A_133 = arith.index_cast %add3A_98 : i32 to index
      %swap3A_134 = arith.constant 112 : index
      %swap3A_135 = tpu.vector_load %arg6[%swap3A_133, %swap3A_134] {strides = array<i32>} : memref<64x128xf32, #tpu.memory_space<vmem>>, vector<1x16xf32>,
      %swap3A_136 = vector.shape_cast %swap3A_135 : vector<1x16xf32> to vector<16xf32>
      %swap3A_137 = vector.shape_cast %broadcast_in_dim3A_9 : vector<16xf32> to vector<1x16xf32>
      tpu.vector_store %arg6[%swap3A_133, %swap3A_134], %swap3A_137 {strides = array<i32>} : memref<64x128xf32, #tpu.memory_space<vmem>>, vector<1x16xf32>,
    }
    %scan3A_74 = arith.constant 64 : i32
    %scan3A_75 = arith.constant 0 : i32
    %scan3A_76 = arith.constant 32 : i32
    %scan3A_77 = arith.addi %scan3A_75, %scan3A_76 : i32
    %scan3A_78 = arith.constant 1 : i32
    scf.for %scan3A_94 = %scan3A_75 to %scan3A_77 step %scan3A_78  : i32 {
      %mul3A_95 = arith.constant 1 : i32
      %mul3A_96 = arith.muli %scan3A_94, %mul3A_95 : i32
      %add3A_97 = arith.constant 0 : i32
      %add3A_98 = arith.addi %add3A_97, %mul3A_96 : i32
      %add3A_99 = arith.constant 128 : i32
      %add3A_100 = arith.addi %add3A_99, %add3A_98 : i32
      %dma_start3A = arith.constant 0 : i32
      %dma_start3A_101 = tpu.memref_slice %arg5[%add3A_100, %dma_start3A] : memref<160x64xi32, #tpu.memory_space<vmem>> -> memref<1x64xi32, #tpu.memory_space<vmem>>
      %dma_start3A_102 = tpu.memref_squeeze %dma_start3A_101 : memref<1x64xi32, #tpu.memory_space<vmem>> -> memref<64xi32, #tpu.memory_space<vmem>>
      %dma_start3A_103 = arith.constant 0 : i32
      %dma_start3A_104 = arith.constant 0 : i32
      %dma_start3A_105 = tpu.memref_slice %arg8[%dma_start3A_103, %dma_start3A_104] : memref<10000x128xf32, #tpu.memory_space<vmem_shared>> -> memref<10000x128xf32, #tpu.memory_space<vmem_shared>>
      tpu.enqueue_indirect_dma source(%dma_start3A_105 : memref<10000x128xf32, #tpu.memory_space<vmem_shared>>) target(%arg6 : memref<64x128xf32, #tpu.memory_space<vmem>>) offsets(%dma_start3A_102 : memref<64xi32, #tpu.memory_space<vmem>>) semaphore(%arg9 : memref<!tpu.dma_semaphore, #tpu.memory_space<semaphore_mem>>) {add = true}
    }
    %scan3A_79 = arith.constant 32 : i32
    %scan3A_80 = arith.constant 0 : i32
    %scan3A_81 = arith.constant 32 : i32
    %scan3A_82 = arith.addi %scan3A_80, %scan3A_81 : i32
    %scan3A_83 = arith.constant 1 : i32
    scf.for %scan3A_94 = %scan3A_80 to %scan3A_82 step %scan3A_83  : i32 {
      %mul3A_95 = arith.constant 1 : i32
      %mul3A_96 = arith.muli %scan3A_94, %mul3A_95 : i32
      %add3A_97 = arith.constant 0 : i32
      %add3A_98 = arith.addi %add3A_97, %mul3A_96 : i32
      %dma_wait3A = arith.constant 0 : i32
      %dma_wait3A_99 = arith.constant 0 : i32
      %dma_wait3A_100 = tpu.memref_slice %arg5[%dma_wait3A, %dma_wait3A_99] : memref<160x64xi32, #tpu.memory_space<vmem>> -> memref<1x64xi32, #tpu.memory_space<vmem>>
      %dma_wait3A_101 = tpu.memref_squeeze %dma_wait3A_100 : memref<1x64xi32, #tpu.memory_space<vmem>> -> memref<64xi32, #tpu.memory_space<vmem>>
      %dma_wait3A_102 = arith.constant 0 : i32
      %dma_wait3A_103 = arith.constant 0 : i32
      %dma_wait3A_104 = tpu.memref_slice %arg8[%dma_wait3A_102, %dma_wait3A_103] : memref<10000x128xf32, #tpu.memory_space<vmem_shared>> -> memref<10000x128xf32, #tpu.memory_space<vmem_shared>>
      tpu.wait_indirect_dma semaphore(%arg10 : memref<!tpu.dma_semaphore, #tpu.memory_space<semaphore_mem>>) src(%dma_wait3A_104 : memref<10000x128xf32, #tpu.memory_space<vmem_shared>>) dst(%arg7 : memref<64x128xf32, #tpu.memory_space<vmem>>)
    }
    %scan3A_84 = arith.constant 32 : i32
    %add3A_85 = arith.constant 192 : i32
    %add3A_86 = arith.addi %mul3A_2, %add3A_85 : i32
    "tpu.region"() ({
      %run_scoped3A = tpu.sem_alloc : memref<!tpu.dma_semaphore, #tpu.memory_space<semaphore_mem>>
      %dma_start3A = arith.constant 0 : i32
      %dma_start3A_94 = tpu.memref_slice %arg4[%add3A_86, %dma_start3A] : memref<10240x128xf32, #tpu.memory_space<hbm>> -> memref<64x128xf32, #tpu.memory_space<hbm>>
      %dma_start3A_95 = arith.constant 0 : i32
      %dma_start3A_96 = tpu.memref_slice %arg4[%add3A_86, %dma_start3A_95] : memref<10240x128xf32, #tpu.memory_space<hbm>> -> memref<64x128xf32, #tpu.memory_space<hbm>>
      tpu.enqueue_dma source(%arg7 : memref<64x128xf32, #tpu.memory_space<vmem>>) target(%dma_start3A_96 : memref<64x128xf32, #tpu.memory_space<hbm>>) target_semaphore(%run_scoped3A : memref<!tpu.dma_semaphore, #tpu.memory_space<semaphore_mem>>)
      %dma_wait3A = arith.constant 0 : i32
      %dma_wait3A_97 = tpu.memref_slice %arg4[%add3A_86, %dma_wait3A] : memref<10240x128xf32, #tpu.memory_space<hbm>> -> memref<64x128xf32, #tpu.memory_space<hbm>>
      %dma_wait3A_98 = arith.constant 0 : i32
      %dma_wait3A_99 = tpu.memref_slice %arg4[%add3A_86, %dma_wait3A_98] : memref<10240x128xf32, #tpu.memory_space<hbm>> -> memref<64x128xf32, #tpu.memory_space<hbm>>
      tpu.wait_dma2 semaphore(%run_scoped3A : memref<!tpu.dma_semaphore, #tpu.memory_space<semaphore_mem>>) src(%arg7 : memref<64x128xf32, #tpu.memory_space<vmem>>) dst(%dma_wait3A_99 : memref<64x128xf32, #tpu.memory_space<hbm>>)
      tpu.yield
    }) : () -> ()
    %scan3A_87 = arith.constant 0 : i32
    %scan3A_88 = arith.constant 32 : i32
    %scan3A_89 = arith.addi %scan3A_87, %scan3A_88 : i32
    %scan3A_90 = arith.constant 1 : i32
    scf.for %scan3A_94 = %scan3A_87 to %scan3A_89 step %scan3A_90  : i32 {
      %mul3A_95 = arith.constant 1 : i32
      %mul3A_96 = arith.muli %scan3A_94, %mul3A_95 : i32
      %add3A_97 = arith.constant 0 : i32
      %add3A_98 = arith.addi %add3A_97, %mul3A_96 : i32
      %dma_wait3A = arith.constant 0 : i32
      %dma_wait3A_99 = arith.constant 0 : i32
      %dma_wait3A_100 = tpu.memref_slice %arg5[%dma_wait3A, %dma_wait3A_99] : memref<160x64xi32, #tpu.memory_space<vmem>> -> memref<1x64xi32, #tpu.memory_space<vmem>>
      %dma_wait3A_101 = tpu.memref_squeeze %dma_wait3A_100 : memref<1x64xi32, #tpu.memory_space<vmem>> -> memref<64xi32, #tpu.memory_space<vmem>>
      %dma_wait3A_102 = arith.constant 0 : i32
      %dma_wait3A_103 = arith.constant 0 : i32
      %dma_wait3A_104 = tpu.memref_slice %arg8[%dma_wait3A_102, %dma_wait3A_103] : memref<10000x128xf32, #tpu.memory_space<vmem_shared>> -> memref<10000x128xf32, #tpu.memory_space<vmem_shared>>
      tpu.wait_indirect_dma semaphore(%arg9 : memref<!tpu.dma_semaphore, #tpu.memory_space<semaphore_mem>>) src(%dma_wait3A_104 : memref<10000x128xf32, #tpu.memory_space<vmem_shared>>) dst(%arg6 : memref<64x128xf32, #tpu.memory_space<vmem>>)
    }
    %scan3A_91 = arith.constant 32 : i32
    %add3A_92 = arith.constant 256 : i32
    %add3A_93 = arith.addi %mul3A_2, %add3A_92 : i32
    "tpu.region"() ({
      %run_scoped3A = tpu.sem_alloc : memref<!tpu.dma_semaphore, #tpu.memory_space<semaphore_mem>>
      %dma_start3A = arith.constant 0 : i32
      %dma_start3A_94 = tpu.memref_slice %arg4[%add3A_93, %dma_start3A] : memref<10240x128xf32, #tpu.memory_space<hbm>> -> memref<64x128xf32, #tpu.memory_space<hbm>>
      %dma_start3A_95 = arith.constant 0 : i32
      %dma_start3A_96 = tpu.memref_slice %arg4[%add3A_93, %dma_start3A_95] : memref<10240x128xf32, #tpu.memory_space<hbm>> -> memref<64x128xf32, #tpu.memory_space<hbm>>
      tpu.enqueue_dma source(%arg6 : memref<64x128xf32, #tpu.memory_space<vmem>>) target(%dma_start3A_96 : memref<64x128xf32, #tpu.memory_space<hbm>>) target_semaphore(%run_scoped3A : memref<!tpu.dma_semaphore, #tpu.memory_space<semaphore_mem>>)
      %dma_wait3A = arith.constant 0 : i32
      %dma_wait3A_97 = tpu.memref_slice %arg4[%add3A_93, %dma_wait3A] : memref<10240x128xf32, #tpu.memory_space<hbm>> -> memref<64x128xf32, #tpu.memory_space<hbm>>
      %dma_wait3A_98 = arith.constant 0 : i32
      %dma_wait3A_99 = tpu.memref_slice %arg4[%add3A_93, %dma_wait3A_98] : memref<10240x128xf32, #tpu.memory_space<hbm>> -> memref<64x128xf32, #tpu.memory_space<hbm>>
      tpu.wait_dma2 semaphore(%run_scoped3A : memref<!tpu.dma_semaphore, #tpu.memory_space<semaphore_mem>>) src(%arg6 : memref<64x128xf32, #tpu.memory_space<vmem>>) dst(%dma_wait3A_99 : memref<64x128xf32, #tpu.memory_space<hbm>>)
      tpu.yield
    }) : () -> ()
    return
  }
}

module attributes {stable_mosaic.version = 14 : i64} {
  func.func @body(%arg0: i32, %arg1: memref<1x1xf32, #tpu.memory_space<vmem>>, %arg2: memref<128x128xf32, #tpu.memory_space<vmem>>, %arg3: memref<1x128xf32, #tpu.memory_space<vmem>>, %arg4: memref<128x2048xf32, #tpu.memory_space<vmem>>, %arg5: memref<2048x128xf32, #tpu.memory_space<vmem>>) attributes {dimension_semantics = [#tpu.dimension_semantics<arbitrary>], iteration_bounds = array<i64: 5>, scalar_prefetch = 0 : i64, scratch_operands = 0 : i64, tpu.core_type = #tpu.core_type<tc>, window_params = [{pipeline_mode = #tpu.pipeline_mode<synchronous>, transform_indices = @transform_0, window_bounds = array<i64: 1, 1>}, {pipeline_mode = #tpu.pipeline_mode<synchronous>, transform_indices = @transform_1, window_bounds = array<i64: 128, 128>}, {pipeline_mode = #tpu.pipeline_mode<synchronous>, transform_indices = @transform_2, window_bounds = array<i64: 1, 128>}, {transform_indices = @transform_3, window_bounds = array<i64: 128, 2048>}, {transform_indices = @transform_4, window_bounds = array<i64: 2048, 128>}]} {
    %get3A = arith.constant 0 : index
    %get3A_0 = arith.constant 0 : index
    %get3A_1 = vector.load %arg1[%get3A, %get3A_0] : memref<1x1xf32, #tpu.memory_space<vmem>>, vector<1x1xf32>
    %get3A_2 = vector.extract %get3A_1[0, 0] : f32 from vector<1x1xf32>
    %add3A = arith.constant 1.000000e+00 : f32
    %add3A_3 = arith.addf %add3A, %get3A_2 : f32
    %get3A_4 = arith.constant 0 : index
    %get3A_5 = arith.constant 0 : index
    %get3A_6 = vector.load %arg4[%get3A_4, %get3A_5] : memref<128x2048xf32, #tpu.memory_space<vmem>>, vector<128x2048xf32>
    %mul3A = vector.broadcast %add3A_3 : f32 to vector<128x2048xf32>
    %mul3A_7 = arith.mulf %get3A_6, %mul3A : vector<128x2048xf32>
    %get3A_8 = arith.constant 0 : index
    %get3A_9 = arith.constant 0 : index
    %get3A_10 = vector.load %arg2[%get3A_8, %get3A_9] : memref<128x128xf32, #tpu.memory_space<vmem>>, vector<128x128xf32>
    %dot_general3A = arith.constant dense<0.000000e+00> : vector<2048x128xf32>
    %dot_general3A_11 = tpu.matmul %mul3A_7, %get3A_10, %dot_general3A {dimension_numbers = #tpu.dot_dimension_numbers<[0], [1], [1], [0], [0, 1, 1, 0], [], []>, transpose_lhs_hint = false} : vector<128x2048xf32>, vector<128x128xf32>, vector<2048x128xf32> -> vector<2048x128xf32>
    %get3A_12 = arith.constant 0 : index
    %get3A_13 = arith.constant 0 : index
    %get3A_14 = vector.load %arg3[%get3A_12, %get3A_13] : memref<1x128xf32, #tpu.memory_space<vmem>>, vector<1x128xf32>
    %add3A_15 = vector.broadcast %get3A_14 : vector<1x128xf32> to vector<2048x128xf32>
    %add3A_16 = arith.addf %dot_general3A_11, %add3A_15 : vector<2048x128xf32>
    %swap3A = arith.constant 0 : index
    %swap3A_17 = arith.constant 0 : index
    %swap3A_18 = vector.load %arg5[%swap3A, %swap3A_17] : memref<2048x128xf32, #tpu.memory_space<vmem>>, vector<2048x128xf32>
    tpu.vector_store %arg5[%swap3A, %swap3A_17], %add3A_16 {strides = array<i32>} : memref<2048x128xf32, #tpu.memory_space<vmem>>, vector<2048x128xf32>,
    return
  }
  func.func @transform_0(%arg0: i32) -> (i32, i32) {
    %c0_i32 = arith.constant 0 : i32
    %c0_i32_0 = arith.constant 0 : i32
    %c0_i32_1 = arith.constant 0 : i32
    return %c0_i32, %c0_i32_0 : i32, i32
  }
  func.func @transform_1(%arg0: i32) -> (i32, i32) {
    %c0_i32 = arith.constant 0 : i32
    %c0_i32_0 = arith.constant 0 : i32
    %c0_i32_1 = arith.constant 0 : i32
    return %c0_i32, %c0_i32_0 : i32, i32
  }
  func.func @transform_2(%arg0: i32) -> (i32, i32) {
    %c0_i32 = arith.constant 0 : i32
    %c0_i32_0 = arith.constant 0 : i32
    %c0_i32_1 = arith.constant 0 : i32
    return %c0_i32, %c0_i32_0 : i32, i32
  }
  func.func @transform_3(%arg0: i32) -> (i32, i32) {
    %c0_i32 = arith.constant 0 : i32
    %c0_i32_0 = arith.constant 0 : i32
    return %c0_i32, %arg0 : i32, i32
  }
  func.func @transform_4(%arg0: i32) -> (i32, i32) {
    %c0_i32 = arith.constant 0 : i32
    %c0_i32_0 = arith.constant 0 : i32
    return %arg0, %c0_i32 : i32, i32
  }
}

module attributes {stable_mosaic.version = 14 : i64} {
  func.func @body(%arg0: i32, %arg1: memref<128x128xf32, #tpu.memory_space<vmem>>, %arg2: memref<2048x128xf32, #tpu.memory_space<vmem>>, %arg3: memref<2048x128xf32, #tpu.memory_space<vmem>>, %arg4: memref<2048x128xf32, #tpu.memory_space<vmem>>) attributes {dimension_semantics = [#tpu.dimension_semantics<arbitrary>], iteration_bounds = array<i64: 5>, scalar_prefetch = 0 : i64, scratch_operands = 0 : i64, tpu.core_type = #tpu.core_type<tc>, window_params = [{pipeline_mode = #tpu.pipeline_mode<synchronous>, transform_indices = @transform_0, window_bounds = array<i64: 128, 128>}, {transform_indices = @transform_1, window_bounds = array<i64: 2048, 128>}, {transform_indices = @transform_2, window_bounds = array<i64: 2048, 128>}, {transform_indices = @transform_3, window_bounds = array<i64: 2048, 128>}]} {
    %get3A = arith.constant 0 : index
    %get3A_0 = arith.constant 0 : index
    %get3A_1 = vector.load %arg3[%get3A, %get3A_0] : memref<2048x128xf32, #tpu.memory_space<vmem>>, vector<2048x128xf32>
    %get3A_2 = arith.constant 0 : index
    %get3A_3 = arith.constant 0 : index
    %get3A_4 = vector.load %arg1[%get3A_2, %get3A_3] : memref<128x128xf32, #tpu.memory_space<vmem>>, vector<128x128xf32>
    %dot_general3A = arith.constant dense<0.000000e+00> : vector<2048x128xf32>
    %dot_general3A_5 = tpu.matmul %get3A_1, %get3A_4, %dot_general3A {dimension_numbers = #tpu.dot_dimension_numbers<[1], [1], [0], [0], [0, 0, 1, 0], [], []>, transpose_lhs_hint = false} : vector<2048x128xf32>, vector<128x128xf32>, vector<2048x128xf32> -> vector<2048x128xf32>
    %get3A_6 = arith.constant 0 : index
    %get3A_7 = arith.constant 0 : index
    %get3A_8 = vector.load %arg2[%get3A_6, %get3A_7] : memref<2048x128xf32, #tpu.memory_space<vmem>>, vector<2048x128xf32>
    %add3A = arith.addf %get3A_8, %dot_general3A_5 : vector<2048x128xf32>
    %max3A = arith.constant 0.000000e+00 : f32
    %max3A_9 = vector.broadcast %max3A : f32 to vector<2048x128xf32>
    %max3A_10 = arith.maximumf %add3A, %max3A_9 : vector<2048x128xf32>
    %swap3A = arith.constant 0 : index
    %swap3A_11 = arith.constant 0 : index
    %swap3A_12 = vector.load %arg4[%swap3A, %swap3A_11] : memref<2048x128xf32, #tpu.memory_space<vmem>>, vector<2048x128xf32>
    tpu.vector_store %arg4[%swap3A, %swap3A_11], %max3A_10 {strides = array<i32>} : memref<2048x128xf32, #tpu.memory_space<vmem>>, vector<2048x128xf32>,
    return
  }
  func.func @transform_0(%arg0: i32) -> (i32, i32) {
    %c0_i32 = arith.constant 0 : i32
    %c0_i32_0 = arith.constant 0 : i32
    %c0_i32_1 = arith.constant 0 : i32
    return %c0_i32, %c0_i32_0 : i32, i32
  }
  func.func @transform_1(%arg0: i32) -> (i32, i32) {
    %c0_i32 = arith.constant 0 : i32
    %c0_i32_0 = arith.constant 0 : i32
    return %arg0, %c0_i32 : i32, i32
  }
  func.func @transform_2(%arg0: i32) -> (i32, i32) {
    %c0_i32 = arith.constant 0 : i32
    %c0_i32_0 = arith.constant 0 : i32
    return %arg0, %c0_i32 : i32, i32
  }
  func.func @transform_3(%arg0: i32) -> (i32, i32) {
    %c0_i32 = arith.constant 0 : i32
    %c0_i32_0 = arith.constant 0 : i32
    return %arg0, %c0_i32 : i32, i32
  }
}

</mosaic_0001>

<sc_bundles>
// kernel: kernel.5.cloned.1.call-start
scs
__scs_entry_jumppad:
0x0: {  	(pc) =	sbr.rel $0x88, $3  }
0x1: {  	(tag) =	ssettag $0x0;
	lr =	simm.s32 $0x1  }
0x2: {  	[smem:$0x3F9C] =	sst lr;
	_ =	strace $0xD0000000  }
0x3: {  	_ = 	snop  }
0x4: {  	_ = 	snop  }
0x5: {  	_ = 	snop  }
0x6: {  	_ = 	snop  }
0x7: {  	_ = 	snop  }
__scs_overlays_trampoline_lowered:
0x8: {  	[smem:$0x3FAB] =	sst s0  }
0x9: {  	[smem:$0x3FAC] =	sst s1  }
0xa: {  	[smem:$0x3FAD] =	sst s2  }
0xb: {  	[smem:$0x3FAE] =	sst s3  }
0xc: {  	[smem:$0x3FAF] =	sst s4  }
0xd: {  	[smem:$0x3FB0] =	sst s5  }
0xe: {  	[smem:$0x3FB1] =	sst s6  }
0xf: {  	[smem:$0x3FB2] =	sst s7  }
0x10: {  	[smem:$0x3FB3] =	sst s8  }
0x11: {  	[smem:$0x3FB4] =	sst s9;
	s0 =	simm.s32 @!p0 $0x0  }
0x12: {  	s1 =	sld [smem:$0x3F9A];
	s0 =	simm.s32 @p0 $0x1  }
0x13: {  	[smem:$0x3FB5] =	sst s0;
	s0 =	simm.s32 @!p1 $0x0  }
0x14: {  	s2 =	sld [smem:$0x3F99];
	s0 =	simm.s32 @p1 $0x1  }
0x15: {  	[smem:$0x3FB6] =	sst s0;
	s0 =	simm.s32 @!p2 $0x0  }
0x16: {  	s3 =	sld [smem:$0x3FDB];
	s0 =	simm.s32 @p2 $0x1  }
0x17: {  	s4 =	simm.s32 $0x1BF5;
	[smem:$0x3FB8] =	sst s0  }
0x18: {  	s0 =	sld [smem:$0x3F9B];
	_ =	swait.ge [sflag:s4], $0x0  }
0x19: {  	s7 =	sld [smem:$0x3F9C]  }
0x1a: {  	s8 =	sadd.s32 $0xFFFFE003, lr  }
0x1b: {  	s9 =	sadd.s32 $0xFFFFFEF7, lr;
	s5 =	simm.s32 $0xFFFFFFFF;
	p2 =	slt.u32 s8, $0xFFFFF086  }
0x1c: {  	p1 =	slt.u32 s9, $0xF7A;
	s5 =	simm.s32 @!p2 $0x0  }
0x1d: {  	s5 =	simm.s32 @p1 $0x1;
	p0 =	seq.s32 s7, s2  }
0x1e: {  	s7 =	smul.u32 @!p0 $0xF7A, s2;
	p2 =	seq.s32 @!p0 s5, $0x0  }
0x1f: {  	s9 =	smul.u32 $0xF7A, s1;
	s8 =	simm.s32 @!p0 $0x1BF5;
	p2 =	por !p2, p0  }
0x20: {  	[sflag:s8] =	ssyncset.s32 @!p0 $0xFFFFF086;
	s6 =	sadd.s32 @!p0 s3, s7;
	s7 =	simm.s32 @!p0 $0x108  }
0x21: {  	s3 =	sadd.s32 s3, s9;
	s6 =	sadd.s32 @!p0 $0x88, s6;
	s7 =	simm.s32 @p2 $0x1082  }
0x22: {  	[simem:s7], [sflag:s8] =	dma.local @!p0 [hbm:s6], $0xF7A  }
0x23: {  	s9 =	sor.u32 $0xD0000000, s2;
	s6 =	simm.s32 $0x108;
	_ =	swait.ge @!p0 [sflag:s8], $0x0  }
0x24: {  	s3 =	sadd.s32 $0x88, s3;
	s6 =	simm.s32 @!p1 $0x1082;
	[sflag:s4] =	ssyncset.s32 $0xFFFFF086  }
0x25: {  	[simem:s6], [sflag:s4] =	dma.local [hbm:s3], $0xF7A  }
0x26: {  	[smem:$0x3F9C] =	sst s1;
	(tag) =	ssettag s2;
	_ =	strace s9  }
0x27: {  	s1 =	sld [smem:$0x3FAC]  }
0x28: {  	s2 =	sld [smem:$0x3FAD]  }
0x29: {  	s4 =	sld [smem:$0x3FAF]  }
0x2a: {  	p0 =	seq.s32 s5, $0x0;
	s5 =	sld [smem:$0x3FB0]  }
0x2b: {  	s6 =	sld [smem:$0x3FB1]  }
0x2c: {  	s7 =	sld [smem:$0x3FB2]  }
0x2d: {  	s3 =	simm.s32 $0x108;
	s8 =	sld [smem:$0x3FB3]  }
0x2e: {  	s3 =	simm.s32 @!p0 $0x1082;
	s9 =	sld [smem:$0x3FB4]  }
0x2f: {  	lr =	sadd.s32 s0, s3;
	s0 =	sld [smem:$0x3FAB]  }
0x30: {  	s3 =	sld [smem:$0x3FAE]  }
0x31: {  	[smem:$0x3FB7] =	sst s10  }
0x32: {  	s10 =	sld [smem:$0x3FB5];
	_ =	sdelay $0x3  }
0x33: {  	p0 =	seq.s32 s10, $0x1;
	s10 =	sld [smem:$0x3FB7];
	_ =	sdelay $0x3  }
0x34: {  	[smem:$0x3FB7] =	sst s10  }
0x35: {  	s10 =	sld [smem:$0x3FB6];
	_ =	sdelay $0x3  }
0x36: {  	p1 =	seq.s32 s10, $0x1;
	s10 =	sld [smem:$0x3FB7];
	_ =	sdelay $0x3  }
0x37: {  	[smem:$0x3FB7] =	sst s10  }
0x38: {  	s10 =	sld [smem:$0x3FB8]  }
0x39: {  	_ = 	snop;
	(pc) =	sbr.ind lr, $3  }
0x3a: {  	_ = 	snop  }
0x3b: {  	_ = 	snop  }
0x3c: {  	p2 =	seq.s32 s10, $0x1;
	s10 =	sld [smem:$0x3FB7]  }
0x3d: {  	_ =	shalt  }
0x3e: {  	_ =	shalt  }
0x3f: {  	_ =	shalt  }
0x40: {  	_ =	shalt  }
0x41: {  	_ =	shalt  }
0x42: {  	_ =	shalt  }
0x43: {  	_ =	shalt  }
0x44: {  	_ =	shalt  }
0x45: {  	_ =	shalt  }
0x46: {  	_ =	shalt  }
0x47: {  	_ =	shalt  }
0x48: {  	_ =	shalt  }
0x49: {  	_ =	shalt  }
0x4a: {  	_ =	shalt  }
0x4b: {  	_ =	shalt  }
0x4c: {  	_ =	shalt  }
0x4d: {  	_ =	shalt  }
0x4e: {  	_ =	shalt  }
0x4f: {  	_ =	shalt  }
0x50: {  	_ =	shalt  }
0x51: {  	_ =	shalt  }
0x52: {  	_ =	shalt  }
0x53: {  	_ =	shalt  }
0x54: {  	_ =	shalt  }
0x55: {  	_ =	shalt  }
0x56: {  	_ =	shalt  }
0x57: {  	_ =	shalt  }
0x58: {  	_ =	shalt  }
0x59: {  	_ =	shalt  }
0x5a: {  	_ =	shalt  }
0x5b: {  	_ =	shalt  }
0x5c: {  	_ =	shalt  }
0x5d: {  	_ =	shalt  }
0x5e: {  	_ =	shalt  }
0x5f: {  	_ =	shalt  }
0x60: {  	_ =	shalt  }
0x61: {  	_ =	shalt  }
0x62: {  	_ =	shalt  }
0x63: {  	_ =	shalt  }
0x64: {  	_ =	shalt  }
0x65: {  	_ =	shalt  }
0x66: {  	_ =	shalt  }
0x67: {  	_ =	shalt  }
0x68: {  	_ =	shalt  }
0x69: {  	_ =	shalt  }
0x6a: {  	_ =	shalt  }
0x6b: {  	_ =	shalt  }
0x6c: {  	_ =	shalt  }
0x6d: {  	_ =	shalt  }
0x6e: {  	_ =	shalt  }
0x6f: {  	_ =	shalt  }
0x70: {  	_ =	shalt  }
0x71: {  	_ =	shalt  }
0x72: {  	_ =	shalt  }
0x73: {  	_ =	shalt  }
0x74: {  	_ =	shalt  }
0x75: {  	_ =	shalt  }
0x76: {  	_ =	shalt  }
0x77: {  	_ =	shalt  }
0x78: {  	_ =	shalt  }
0x79: {  	_ =	shalt  }
0x7a: {  	_ =	shalt  }
0x7b: {  	_ =	shalt  }
0x7c: {  	_ =	shalt  }
0x7d: {  	_ =	shalt  }
0x7e: {  	_ =	shalt  }
0x7f: {  	_ =	shalt  }
0x80: {  	_ =	shalt  }
0x81: {  	_ =	shalt  }
0x82: {  	_ =	shalt  }
0x83: {  	_ =	shalt  }
0x84: {  	_ =	shalt  }
0x85: {  	_ =	shalt  }
0x86: {  	_ =	shalt  }
0x87: {  	_ =	shalt  }
.Lfunc_end0:
.L_simem_size_0:
called_computation_lowered:
.L_overlay_start_0:
0x88: {  	s2 =	sld [smem:$0x3FD9]  }
0x89: {  	s3 =	sld [smem:$0x3FFE];
	_ =	sdelay $0x1  }
0x8a: {  	s1 =	srdreg.scid  }
0x8b: {  	s0 =	sand.u32 $0x1, s1  }
0x8c: {  	s17 =	sshll.u32 s0, $0xA;
	s2 =	sadd.s32 s3, s2  }
0x8d: {  	s2 =	sadd.s32 s2, s17  }
0x8e: {  	[smem:$0x3FC3] =	sst s2  }
0x8f: {  	_ = 	snop  }
0x90: {  	s2 =	sld [smem:$0x3FC9]  }
0x91: {  	s18 =	sld [smem:$0x3FD0];
	(tm) =	ssettm $0x1  }
0x92: {  	s4 =	sld [smem:$0x3FFB];
	_ =	sdelay $0x3  }
0x93: {  	_ =	strace s4  }
0x94: {  	s4 =	sld [smem:$0x3FFC];
	_ =	sdelay $0x3  }
0x95: {  	_ =	strace s4  }
0x96: {  	s4 =	sld [smem:$0x3FFD];
	_ =	sdelay $0x3  }
0x97: {  	_ =	strace s4  }
0x98: {  	_ =	strace $0x8FFFFFFF  }
0x99: {  	s19 =	sld [smem:$0x3FDB];
	_ =	sdelay $0x1  }
0x9a: {  	s5 =	simm.s32 $_scs_section_size  }
0x9b: {  	s6 =	simm.s32 $_size__tile_overlayer_lowered;
	s7 =	simm.s32 $_tile_overlayer_lowered  }
0x9c: {  	s22 =	simm.s32 $0x1BFF;
	s21 =	sshll.u32 s7, $0x1;
	s4 =	sadd.s32 s5, s19  }
0x9d: {  	s8 =	simm.s32 $0x0;
	s20 =	sshll.u32 s6, $0x1;
	s6 =	sadd.s32 s21, s4  }
0x9e: {  	[timem:s8], [sflag:s22] =	dma.local [hbm:s6], s20  }
0x9f: {  	_ =	swait.ge [sflag:s22], s20  }
0xa0: {  	s5 =	ssub.s32 $0x0, s20;
	[sflag:s22] =	ssyncset.done $0x0  }
0xa1: {  	[sflag:s22] =	ssyncadd.s32 s5;
	_ =	sdelay $0x1  }
0xa2: {  	s23 =	simm.s32 $0x1B8B  }
0xa3: {  	_ =	swait.ge [sflag:s23], $0x1  }
0xa4: {  	[sflag:s23] =	ssyncset.done $0x0  }
0xa5: {  	s25 =	simm.s32 $0x1B8E;
	s24 =	sld [smem:$0x3FFE];
	[sflag:s23] =	ssyncadd.s32 $0xFFFFFFFF  }
0xa6: {  	s26 =	simm.s32 $execute0_lowered;
	[smem:$0x3FD2] =	sst s25  }
0xa7: {  	s6 =	sshll.u32 s26, $0x1;
	_ =	strace $0x80000046;
	[dreg:$0x1] =	wrdreg $0xFFFFFFFF  }
0xa8: {  	s28 =	simm.s32 $_size_execute0_lowered;
	s4 =	sadd.s32 s4, s6;
	[dreg:$0x0] =	wrdreg $0x0  }
0xa9: {  	s6 =	sshll.u32 s28, $0x1;
	[dreg:$0x2] =	wrdreg s4  }
0xaa: {  	[dreg:$0x3] =	wrdreg s6  }
0xab: {  	[dreg:$0x4] =	wrdreg $0xC0  }
0xac: {  	_ =	task [dreg:s8], $0x5FFFF  }
0xad: {  	[dreg:$0x1] =	wrdreg $0xFFFFFFFF  }
0xae: {  	[dreg:$0x0] =	wrdreg $0x60  }
0xaf: {  	[dreg:$0x2] =	wrdreg s2  }
0xb0: {  	[dreg:$0x3] =	wrdreg s18  }
0xb1: {  	[dreg:$0x4] =	wrdreg s24  }
0xb2: {  	[dreg:$0x5] =	wrdreg $0x90000  }
0xb3: {  	[dreg:$0x6] =	wrdreg $0x9  }
0xb4: {  	_ =	task.clear_ibuf [dreg:s8], $0x7FFFF;
	_ =	strace $0x90000046  }
0xb5: {  	s29 =	simm.s32 $0x9;
	_ =	strace $0x80000048  }
0xb6: {  	_ =	swait.ge [sflag:s29], $0x1  }
0xb7: {  	[sflag:s29] =	ssyncadd.s32 $0xFFFFFFFF  }
0xb8: {  	_ =	strace $0x90000048  }
0xb9: {  	_ =	sfence  }
0xba: {  	s30 =	sld [smem:$0x0];
	_ =	sdelay $0x2  }
0xbb: {  	s31 =	sshll.u32 s1, $0xD;
	s1 =	sshrl.u32 s1, $0x2  }
0xbc: {  	s3 =	sand.u32 $0x4000, s31;
	s1 =	sadd.s32 s1, s30  }
0xbd: {  	s0 =	sor.u32 s3, s0;
	s1 =	sshll.u32 s1, $0x11  }
0xbe: {  	s0 =	sor.u32 s1, s0  }
0xbf: {  	s0 =	sadd.s32 $0x8F2B, s0  }
0xc0: {  	[sflag:s0] =	ssyncadd.remote.s32 $0x1  }
0xc1: {  	_ =	sfence.sel $0xFFFF  }
0xc2: {  	[dreg:$0x0] =	wrdreg $0xFFFFFFFF;
	(pc) =	sbr.abs _section_cstart, $3  }
0xc3: {  	[dreg:$0x1] =	wrdreg $0xFFFFFFFF  }
0xc4: {  	_ =	task.clear_ibuf [dreg:s8], $0x2FFFF;
	_ =	strace $0x9FFFFFFF  }
0xc5: {  	(tm) =	ssettm $0x7FFFFFFF  }
tec
execute0_lowered:
.L_overlay_start_1:
0x0: {  	(tag) =	ssettag $0x1  }
0x1: {  	s0 =	rddreg [dreg:$0x0]  }
0x2: {  	s3 =	rddreg [dreg:$0x1]  }
0x3: {  	s4 =	rddreg [dreg:$0x2]  }
0x4: {  	s1 =	rddreg [dreg:$0x3]  }
0x5: {  	s2 =	simm.s32 $0x0;
	s5 =	srdreg.scid;
	s14 =	stileid.u32  }
0x6: {  	s16 =	simm.s32 $0x3;
	s17 =	simm.s32 $0x40;
	s18 =	simm.s32 $0x5000  }
0x7: {  	s30 =	simm.s32 $0x1;
	s28 =	simm.s32 $0x4C00;
	s29 =	simm.s32 $0x4C80  }
0x8: {  	s31 =	simm.s32 $0x4D00;
	s19 =	simm.s32 $0x4E80;
	s20 =	simm.s32 $0x4F00  }
0x9: {  	[smem:$0x7FF] =	sst s2;
	s7 =	sadd.s32 $0x1200, s4;
	s21 =	sand.u32 $0x1, s5  }
0xa: {  	s6 =	sshll.u32 s14, $0x1;
	s8 =	smul.u32 $0x4F000, s14;
	s13 =	sadd.s32 $0x128400, s1  }
0xb: {  	s22 =	smul.u32 $0x2780, s14;
	p0 =	seq.s32 s14, $0xF;
	_ =	strace $0x80000047  }
0xc: {  	s5 =	ssub.s32 $0x2, s21;
	s6 =	sor.u32 s21, s6;
	s13 =	sshrl.u32 @p0 s13, $0x3  }
0xd: {  	s21 =	simm.s32 $0x4F80;
	s9 =	sshrl.u32 s5, $0x1;
	s24 =	smul.u32 $0xA000, s6  }
0xe: {  	s23 =	sshrl.u32 s8, $0x2;
	s4 =	sadd.s32 s0, s22;
	s25 =	smul.u32 $0xA00, s6  }
0xf: {  	s10 =	smul.u32 $0x1400, s6;
	s22 =	simm.s32 $0x0;
	s12 =	ssub.s32 s5, s9  }
0x10: {  	s15 =	sadd.s32 s23, s1;
	s5 =	sadd.s32 $0x25080, s0;
	s0 =	sshll.u32 @!p0 s14, $0x6  }
0x11: {  	s23 =	simm.s32 $0x7000;
	s8 =	sshrl.u32 s24, $0x3;
	s6 =	sadd.s32 s3, s25  }
0x12: {  	s12 =	smax.u32 s12, $0x1;
	s14 =	sor.u32 @!p0 $0x1C03, s0;
	s15 =	sshrl.u32 @!p0 s15, $0x3  }
0x13: {  	s25 =	simm.s32 $0x2;
	s0 =	simm.s32 $0x4D80;
	s26 =	sadd.s32 s7, s8  }
0x14: {  	s3 =	simm.s32 $0x4E00;
	s7 =	sadd.s32 s7, s10;
	s8 =	sadd.s32 $0x400, s26  }
0x15: {  	v0 =	vimm.f32 $0.0e+00;
	s9 =	sadd.s32 $0x800, s26;
	s10 =	sadd.s32 $0xC00, s26;
	s11 =	sadd.s32 $0x1000, s26  }
.LBB2_1:
0x16: {  	s24 =	simm.s32 @p0 $0x1FC3  }
0x17: {  	[spmem:s13], [sflag:s24] =	dma.local @p0 [hbm:s5], $0x2080  }
0x18: {  	s24 =	simm.s32 @p0 $0x3  }
0x19: {  	_ =	swait.ge @p0 [sflag:s24], $0x2080  }
0x1a: {  	[sflag:s24] =	ssyncset.done @p0 $0x0  }
0x1b: {  	[sflag:s24] =	ssyncadd.s32 @p0 $0xFFFFDF80;
	s24 =	simm.s32 @!p0 $0x3  }
0x1c: {  	[spmem:s15], [sflag:s14] =	dma.local @!p0 [hbm:s4], $0x2780  }
0x1d: {  	_ =	swait.ge @!p0 [sflag:s24], $0x2780  }
0x1e: {  	[sflag:s24] =	ssyncset.done @!p0 $0x0  }
0x1f: {  	[sflag:s24] =	ssyncadd.s32 @!p0 $0xFFFFD880  }
0x20: {  	[tilespmem:s2], [sflag:$0x3] =	stream.linear.gather [hbm4b:s6+s2], $0x5000, $0x38;
	[tilespmem:$0x1C880] =	vst v63  }
0x21: {  	_ =	swait.ge [sflag:s16], $0x5000  }
0x22: {  	[sflag:s16] =	ssyncset.done $0x0  }
0x23: {  	[sflag:s16] =	ssyncadd.s32 $0xFFFFB000  }
0x24: {  	s26 =	simm.s32 $0x200;
	s24 =	simm.s32 $0x0;
	[bflag:$0x0] =	sbarrier.arrive $0xFFFF  }
.LBB2_2:
0x25: {  	p1 =	sne.s32 s26, $0x7E00;
	[tilespmem:s24+$0x5070] =	vst v0  }
0x26: {  	[tilespmem:s24+$0x5000] =	vst v0  }
0x27: {  	[tilespmem:s24+$0x5010] =	vst v0  }
.Ltmp0:
0x28: {  	[tilespmem:s24+$0x5020] =	vst v0;
	(pc) =	sbr.rel @p1 .LBB2_2-.Ltmp0, $4  }
0x29: {  	[tilespmem:s24+$0x5030] =	vst v0  }
0x2a: {  	[tilespmem:s24+$0x5040] =	vst v0  }
0x2b: {  	[tilespmem:s24+$0x5050] =	vst v0  }
0x2c: {  	[tilespmem:s24+$0x5060] =	vst v0;
	s24 =	sshra.s32 s26, $0x2;
	s26 =	sadd.s32 $0x200, s26  }
0x2d: {  	[tilespmem:s24+$0x5070] =	vst v0  }
0x2e: {  	[tilespmem:s24+$0x5000] =	vst v0  }
0x2f: {  	[tilespmem:s24+$0x5010] =	vst v0  }
0x30: {  	[tilespmem:s24+$0x5020] =	vst v0  }
0x31: {  	[tilespmem:s24+$0x5030] =	vst v0  }
0x32: {  	[tilespmem:s24+$0x5040] =	vst v0  }
0x33: {  	[tilespmem:s24+$0x5050] =	vst v0  }
0x34: {  	[tilespmem:s24+$0x5060] =	vst v0;
	s26 =	simm.s32 $0x0  }
0x35: {  	[tilespmem:s18], [sflag:$0x1] =	stream.indirect.gather.add.f32 [spmem:s1], $0x80, s26, s17, $0xb8;
	[tilespmem:$0x1C880] =	vst v63  }
0x36: {  	s26 =	simm.s32 $0x80  }
0x37: {  	[tilespmem:s18], [sflag:$0x1] =	stream.indirect.gather.add.f32 [spmem:s1], $0x80, s26, s17, $0xb8;
	[tilespmem:$0x1C880] =	vst v63  }
0x38: {  	s26 =	simm.s32 $0x100  }
0x39: {  	[tilespmem:s18], [sflag:$0x1] =	stream.indirect.gather.add.f32 [spmem:s1], $0x80, s26, s17, $0xb8;
	[tilespmem:$0x1C880] =	vst v63  }
0x3a: {  	s26 =	simm.s32 $0x180  }
0x3b: {  	[tilespmem:s18], [sflag:$0x1] =	stream.indirect.gather.add.f32 [spmem:s1], $0x80, s26, s17, $0xb8;
	[tilespmem:$0x1C880] =	vst v63  }
0x3c: {  	s26 =	simm.s32 $0x200  }
0x3d: {  	[tilespmem:s18], [sflag:$0x1] =	stream.indirect.gather.add.f32 [spmem:s1], $0x80, s26, s17, $0xb8;
	[tilespmem:$0x1C880] =	vst v63  }
0x3e: {  	s26 =	simm.s32 $0x280  }
0x3f: {  	[tilespmem:s18], [sflag:$0x1] =	stream.indirect.gather.add.f32 [spmem:s1], $0x80, s26, s17, $0xb8;
	[tilespmem:$0x1C880] =	vst v63  }
0x40: {  	s26 =	simm.s32 $0x300  }
0x41: {  	[tilespmem:s18], [sflag:$0x1] =	stream.indirect.gather.add.f32 [spmem:s1], $0x80, s26, s17, $0xb8;
	[tilespmem:$0x1C880] =	vst v63  }
0x42: {  	s26 =	simm.s32 $0x380  }
0x43: {  	[tilespmem:s18], [sflag:$0x1] =	stream.indirect.gather.add.f32 [spmem:s1], $0x80, s26, s17, $0xb8;
	[tilespmem:$0x1C880] =	vst v63  }
0x44: {  	s26 =	simm.s32 $0x400  }
0x45: {  	[tilespmem:s18], [sflag:$0x1] =	stream.indirect.gather.add.f32 [spmem:s1], $0x80, s26, s17, $0xb8;
	[tilespmem:$0x1C880] =	vst v63  }
0x46: {  	s26 =	simm.s32 $0x480  }
0x47: {  	[tilespmem:s18], [sflag:$0x1] =	stream.indirect.gather.add.f32 [spmem:s1], $0x80, s26, s17, $0xb8;
	[tilespmem:$0x1C880] =	vst v63  }
0x48: {  	s26 =	simm.s32 $0x500  }
0x49: {  	[tilespmem:s18], [sflag:$0x1] =	stream.indirect.gather.add.f32 [spmem:s1], $0x80, s26, s17, $0xb8;
	[tilespmem:$0x1C880] =	vst v63  }
0x4a: {  	s26 =	simm.s32 $0x580  }
0x4b: {  	[tilespmem:s18], [sflag:$0x1] =	stream.indirect.gather.add.f32 [spmem:s1], $0x80, s26, s17, $0xb8;
	[tilespmem:$0x1C880] =	vst v63  }
0x4c: {  	s26 =	simm.s32 $0x600  }
0x4d: {  	[tilespmem:s18], [sflag:$0x1] =	stream.indirect.gather.add.f32 [spmem:s1], $0x80, s26, s17, $0xb8;
	[tilespmem:$0x1C880] =	vst v63  }
0x4e: {  	s26 =	simm.s32 $0x680  }
0x4f: {  	[tilespmem:s18], [sflag:$0x1] =	stream.indirect.gather.add.f32 [spmem:s1], $0x80, s26, s17, $0xb8;
	[tilespmem:$0x1C880] =	vst v63  }
0x50: {  	s26 =	simm.s32 $0x700  }
0x51: {  	[tilespmem:s18], [sflag:$0x1] =	stream.indirect.gather.add.f32 [spmem:s1], $0x80, s26, s17, $0xb8;
	[tilespmem:$0x1C880] =	vst v63  }
0x52: {  	s26 =	simm.s32 $0x780  }
0x53: {  	[tilespmem:s18], [sflag:$0x1] =	stream.indirect.gather.add.f32 [spmem:s1], $0x80, s26, s17, $0xb8;
	[tilespmem:$0x1C880] =	vst v63  }
0x54: {  	s26 =	simm.s32 $0x800  }
0x55: {  	[tilespmem:s18], [sflag:$0x1] =	stream.indirect.gather.add.f32 [spmem:s1], $0x80, s26, s17, $0xb8;
	[tilespmem:$0x1C880] =	vst v63  }
0x56: {  	s26 =	simm.s32 $0x880  }
0x57: {  	[tilespmem:s18], [sflag:$0x1] =	stream.indirect.gather.add.f32 [spmem:s1], $0x80, s26, s17, $0xb8;
	[tilespmem:$0x1C880] =	vst v63  }
0x58: {  	s26 =	simm.s32 $0x900  }
0x59: {  	[tilespmem:s18], [sflag:$0x1] =	stream.indirect.gather.add.f32 [spmem:s1], $0x80, s26, s17, $0xb8;
	[tilespmem:$0x1C880] =	vst v63  }
0x5a: {  	s26 =	simm.s32 $0x980  }
0x5b: {  	[tilespmem:s18], [sflag:$0x1] =	stream.indirect.gather.add.f32 [spmem:s1], $0x80, s26, s17, $0xb8;
	[tilespmem:$0x1C880] =	vst v63  }
0x5c: {  	s26 =	simm.s32 $0xA00  }
0x5d: {  	[tilespmem:s18], [sflag:$0x1] =	stream.indirect.gather.add.f32 [spmem:s1], $0x80, s26, s17, $0xb8;
	[tilespmem:$0x1C880] =	vst v63  }
0x5e: {  	s26 =	simm.s32 $0xA80  }
0x5f: {  	[tilespmem:s18], [sflag:$0x1] =	stream.indirect.gather.add.f32 [spmem:s1], $0x80, s26, s17, $0xb8;
	[tilespmem:$0x1C880] =	vst v63  }
0x60: {  	s26 =	simm.s32 $0xB00  }
0x61: {  	[tilespmem:s18], [sflag:$0x1] =	stream.indirect.gather.add.f32 [spmem:s1], $0x80, s26, s17, $0xb8;
	[tilespmem:$0x1C880] =	vst v63  }
0x62: {  	s26 =	simm.s32 $0xB80  }
0x63: {  	[tilespmem:s18], [sflag:$0x1] =	stream.indirect.gather.add.f32 [spmem:s1], $0x80, s26, s17, $0xb8;
	[tilespmem:$0x1C880] =	vst v63  }
0x64: {  	s26 =	simm.s32 $0xC00  }
0x65: {  	[tilespmem:s18], [sflag:$0x1] =	stream.indirect.gather.add.f32 [spmem:s1], $0x80, s26, s17, $0xb8;
	[tilespmem:$0x1C880] =	vst v63  }
0x66: {  	s26 =	simm.s32 $0xC80  }
0x67: {  	[tilespmem:s18], [sflag:$0x1] =	stream.indirect.gather.add.f32 [spmem:s1], $0x80, s26, s17, $0xb8;
	[tilespmem:$0x1C880] =	vst v63  }
0x68: {  	s26 =	simm.s32 $0xD00  }
0x69: {  	[tilespmem:s18], [sflag:$0x1] =	stream.indirect.gather.add.f32 [spmem:s1], $0x80, s26, s17, $0xb8;
	[tilespmem:$0x1C880] =	vst v63  }
0x6a: {  	s26 =	simm.s32 $0xD80  }
0x6b: {  	[tilespmem:s18], [sflag:$0x1] =	stream.indirect.gather.add.f32 [spmem:s1], $0x80, s26, s17, $0xb8;
	[tilespmem:$0x1C880] =	vst v63  }
0x6c: {  	s26 =	simm.s32 $0xE00  }
0x6d: {  	[tilespmem:s18], [sflag:$0x1] =	stream.indirect.gather.add.f32 [spmem:s1], $0x80, s26, s17, $0xb8;
	[tilespmem:$0x1C880] =	vst v63  }
0x6e: {  	s26 =	simm.s32 $0xE80  }
0x6f: {  	[tilespmem:s18], [sflag:$0x1] =	stream.indirect.gather.add.f32 [spmem:s1], $0x80, s26, s17, $0xb8;
	[tilespmem:$0x1C880] =	vst v63  }
0x70: {  	s26 =	simm.s32 $0xF00  }
0x71: {  	[tilespmem:s18], [sflag:$0x1] =	stream.indirect.gather.add.f32 [spmem:s1], $0x80, s26, s17, $0xb8;
	[tilespmem:$0x1C880] =	vst v63  }
0x72: {  	s26 =	simm.s32 $0xF80  }
0x73: {  	[tilespmem:s18], [sflag:$0x1] =	stream.indirect.gather.add.f32 [spmem:s1], $0x80, s26, s17, $0xb8;
	[tilespmem:$0x1C880] =	vst v63  }
0x74: {  	s24 =	simm.s32 $0x0;
	s26 =	simm.s32 $0x200  }
.LBB2_4:
0x75: {  	p1 =	sne.s32 s26, $0x7E00;
	[tilespmem:s24+$0x7070] =	vst v0  }
0x76: {  	[tilespmem:s24+$0x7000] =	vst v0  }
0x77: {  	[tilespmem:s24+$0x7010] =	vst v0  }
.Ltmp1:
0x78: {  	[tilespmem:s24+$0x7020] =	vst v0;
	(pc) =	sbr.rel @p1 .LBB2_4-.Ltmp1, $4  }
0x79: {  	[tilespmem:s24+$0x7030] =	vst v0  }
0x7a: {  	[tilespmem:s24+$0x7040] =	vst v0  }
0x7b: {  	[tilespmem:s24+$0x7050] =	vst v0  }
0x7c: {  	[tilespmem:s24+$0x7060] =	vst v0;
	s24 =	sshra.s32 s26, $0x2;
	s26 =	sadd.s32 $0x200, s26  }
0x7d: {  	[tilespmem:s24+$0x7070] =	vst v0  }
0x7e: {  	[tilespmem:s24+$0x7000] =	vst v0  }
0x7f: {  	[tilespmem:s24+$0x7010] =	vst v0  }
0x80: {  	[tilespmem:s24+$0x7020] =	vst v0  }
0x81: {  	[tilespmem:s24+$0x7030] =	vst v0  }
0x82: {  	[tilespmem:s24+$0x7040] =	vst v0  }
0x83: {  	[tilespmem:s24+$0x7050] =	vst v0  }
0x84: {  	[tilespmem:s24+$0x7060] =	vst v0;
	s26 =	simm.s32 $0x1000  }
0x85: {  	[tilespmem:s23], [sflag:$0x2] =	stream.indirect.gather.add.f32 [spmem:s1], $0x80, s26, s17, $0xb8;
	[tilespmem:$0x1C880] =	vst v63  }
0x86: {  	s26 =	simm.s32 $0x1080  }
0x87: {  	[tilespmem:s23], [sflag:$0x2] =	stream.indirect.gather.add.f32 [spmem:s1], $0x80, s26, s17, $0xb8;
	[tilespmem:$0x1C880] =	vst v63  }
0x88: {  	s26 =	simm.s32 $0x1100  }
0x89: {  	[tilespmem:s23], [sflag:$0x2] =	stream.indirect.gather.add.f32 [spmem:s1], $0x80, s26, s17, $0xb8;
	[tilespmem:$0x1C880] =	vst v63  }
0x8a: {  	s26 =	simm.s32 $0x1180  }
0x8b: {  	[tilespmem:s23], [sflag:$0x2] =	stream.indirect.gather.add.f32 [spmem:s1], $0x80, s26, s17, $0xb8;
	[tilespmem:$0x1C880] =	vst v63  }
0x8c: {  	s26 =	simm.s32 $0x1200  }
0x8d: {  	[tilespmem:s23], [sflag:$0x2] =	stream.indirect.gather.add.f32 [spmem:s1], $0x80, s26, s17, $0xb8;
	[tilespmem:$0x1C880] =	vst v63  }
0x8e: {  	s26 =	simm.s32 $0x1280  }
0x8f: {  	[tilespmem:s23], [sflag:$0x2] =	stream.indirect.gather.add.f32 [spmem:s1], $0x80, s26, s17, $0xb8;
	[tilespmem:$0x1C880] =	vst v63  }
0x90: {  	s26 =	simm.s32 $0x1300  }
0x91: {  	[tilespmem:s23], [sflag:$0x2] =	stream.indirect.gather.add.f32 [spmem:s1], $0x80, s26, s17, $0xb8;
	[tilespmem:$0x1C880] =	vst v63  }
0x92: {  	s26 =	simm.s32 $0x1380  }
0x93: {  	[tilespmem:s23], [sflag:$0x2] =	stream.indirect.gather.add.f32 [spmem:s1], $0x80, s26, s17, $0xb8;
	[tilespmem:$0x1C880] =	vst v63  }
0x94: {  	s26 =	simm.s32 $0x1400  }
0x95: {  	[tilespmem:s23], [sflag:$0x2] =	stream.indirect.gather.add.f32 [spmem:s1], $0x80, s26, s17, $0xb8;
	[tilespmem:$0x1C880] =	vst v63  }
0x96: {  	s26 =	simm.s32 $0x1480  }
0x97: {  	[tilespmem:s23], [sflag:$0x2] =	stream.indirect.gather.add.f32 [spmem:s1], $0x80, s26, s17, $0xb8;
	[tilespmem:$0x1C880] =	vst v63  }
0x98: {  	s26 =	simm.s32 $0x1500  }
0x99: {  	[tilespmem:s23], [sflag:$0x2] =	stream.indirect.gather.add.f32 [spmem:s1], $0x80, s26, s17, $0xb8;
	[tilespmem:$0x1C880] =	vst v63  }
0x9a: {  	s26 =	simm.s32 $0x1580  }
0x9b: {  	[tilespmem:s23], [sflag:$0x2] =	stream.indirect.gather.add.f32 [spmem:s1], $0x80, s26, s17, $0xb8;
	[tilespmem:$0x1C880] =	vst v63  }
0x9c: {  	s26 =	simm.s32 $0x1600  }
0x9d: {  	[tilespmem:s23], [sflag:$0x2] =	stream.indirect.gather.add.f32 [spmem:s1], $0x80, s26, s17, $0xb8;
	[tilespmem:$0x1C880] =	vst v63  }
0x9e: {  	s26 =	simm.s32 $0x1680  }
0x9f: {  	[tilespmem:s23], [sflag:$0x2] =	stream.indirect.gather.add.f32 [spmem:s1], $0x80, s26, s17, $0xb8;
	[tilespmem:$0x1C880] =	vst v63  }
0xa0: {  	s26 =	simm.s32 $0x1700  }
0xa1: {  	[tilespmem:s23], [sflag:$0x2] =	stream.indirect.gather.add.f32 [spmem:s1], $0x80, s26, s17, $0xb8;
	[tilespmem:$0x1C880] =	vst v63  }
0xa2: {  	s26 =	simm.s32 $0x1780  }
0xa3: {  	[tilespmem:s23], [sflag:$0x2] =	stream.indirect.gather.add.f32 [spmem:s1], $0x80, s26, s17, $0xb8;
	[tilespmem:$0x1C880] =	vst v63  }
0xa4: {  	s26 =	simm.s32 $0x1800  }
0xa5: {  	[tilespmem:s23], [sflag:$0x2] =	stream.indirect.gather.add.f32 [spmem:s1], $0x80, s26, s17, $0xb8;
	[tilespmem:$0x1C880] =	vst v63  }
0xa6: {  	s26 =	simm.s32 $0x1880  }
0xa7: {  	[tilespmem:s23], [sflag:$0x2] =	stream.indirect.gather.add.f32 [spmem:s1], $0x80, s26, s17, $0xb8;
	[tilespmem:$0x1C880] =	vst v63  }
0xa8: {  	s26 =	simm.s32 $0x1900  }
0xa9: {  	[tilespmem:s23], [sflag:$0x2] =	stream.indirect.gather.add.f32 [spmem:s1], $0x80, s26, s17, $0xb8;
	[tilespmem:$0x1C880] =	vst v63  }
0xaa: {  	s26 =	simm.s32 $0x1980  }
0xab: {  	[tilespmem:s23], [sflag:$0x2] =	stream.indirect.gather.add.f32 [spmem:s1], $0x80, s26, s17, $0xb8;
	[tilespmem:$0x1C880] =	vst v63  }
0xac: {  	s26 =	simm.s32 $0x1A00  }
0xad: {  	[tilespmem:s23], [sflag:$0x2] =	stream.indirect.gather.add.f32 [spmem:s1], $0x80, s26, s17, $0xb8;
	[tilespmem:$0x1C880] =	vst v63  }
0xae: {  	s26 =	simm.s32 $0x1A80  }
0xaf: {  	[tilespmem:s23], [sflag:$0x2] =	stream.indirect.gather.add.f32 [spmem:s1], $0x80, s26, s17, $0xb8;
	[tilespmem:$0x1C880] =	vst v63  }
0xb0: {  	s26 =	simm.s32 $0x1B00  }
0xb1: {  	[tilespmem:s23], [sflag:$0x2] =	stream.indirect.gather.add.f32 [spmem:s1], $0x80, s26, s17, $0xb8;
	[tilespmem:$0x1C880] =	vst v63  }
0xb2: {  	s26 =	simm.s32 $0x1B80  }
0xb3: {  	[tilespmem:s23], [sflag:$0x2] =	stream.indirect.gather.add.f32 [spmem:s1], $0x80, s26, s17, $0xb8;
	[tilespmem:$0x1C880] =	vst v63  }
0xb4: {  	s26 =	simm.s32 $0x1C00  }
0xb5: {  	[tilespmem:s23], [sflag:$0x2] =	stream.indirect.gather.add.f32 [spmem:s1], $0x80, s26, s17, $0xb8;
	[tilespmem:$0x1C880] =	vst v63  }
0xb6: {  	s26 =	simm.s32 $0x1C80  }
0xb7: {  	[tilespmem:s23], [sflag:$0x2] =	stream.indirect.gather.add.f32 [spmem:s1], $0x80, s26, s17, $0xb8;
	[tilespmem:$0x1C880] =	vst v63  }
0xb8: {  	s26 =	simm.s32 $0x1D00  }
0xb9: {  	[tilespmem:s23], [sflag:$0x2] =	stream.indirect.gather.add.f32 [spmem:s1], $0x80, s26, s17, $0xb8;
	[tilespmem:$0x1C880] =	vst v63  }
0xba: {  	s26 =	simm.s32 $0x1D80  }
0xbb: {  	[tilespmem:s23], [sflag:$0x2] =	stream.indirect.gather.add.f32 [spmem:s1], $0x80, s26, s17, $0xb8;
	[tilespmem:$0x1C880] =	vst v63  }
0xbc: {  	s26 =	simm.s32 $0x1E00  }
0xbd: {  	[tilespmem:s23], [sflag:$0x2] =	stream.indirect.gather.add.f32 [spmem:s1], $0x80, s26, s17, $0xb8;
	[tilespmem:$0x1C880] =	vst v63  }
0xbe: {  	s26 =	simm.s32 $0x1E80  }
0xbf: {  	[tilespmem:s23], [sflag:$0x2] =	stream.indirect.gather.add.f32 [spmem:s1], $0x80, s26, s17, $0xb8;
	[tilespmem:$0x1C880] =	vst v63  }
0xc0: {  	s26 =	simm.s32 $0x1F00  }
0xc1: {  	[tilespmem:s23], [sflag:$0x2] =	stream.indirect.gather.add.f32 [spmem:s1], $0x80, s26, s17, $0xb8;
	[tilespmem:$0x1C880] =	vst v63  }
0xc2: {  	s26 =	simm.s32 $0x1F80  }
0xc3: {  	[tilespmem:s23], [sflag:$0x2] =	stream.indirect.gather.add.f32 [spmem:s1], $0x80, s26, s17, $0xb8;
	[tilespmem:$0x1C880] =	vst v63  }
0xc4: {  	_ =	swait.ge [sflag:s30], $0x2000  }
0xc5: {  	[sflag:s30] =	ssyncset.done $0x0  }
0xc6: {  	[sflag:s30] =	ssyncadd.s32 $0xFFFFE000  }
0xc7: {  	_ =	swait.ge [sflag:s30], $0x2000  }
0xc8: {  	[sflag:s30] =	ssyncset.done $0x0  }
0xc9: {  	[sflag:s30] =	ssyncadd.s32 $0xFFFFE000  }
0xca: {  	_ =	swait.ge [sflag:s30], $0x2000  }
0xcb: {  	[sflag:s30] =	ssyncset.done $0x0  }
0xcc: {  	[sflag:s30] =	ssyncadd.s32 $0xFFFFE000  }
0xcd: {  	_ =	swait.ge [sflag:s30], $0x2000  }
0xce: {  	[sflag:s30] =	ssyncset.done $0x0  }
0xcf: {  	[sflag:s30] =	ssyncadd.s32 $0xFFFFE000  }
0xd0: {  	_ =	swait.ge [sflag:s30], $0x2000  }
0xd1: {  	[sflag:s30] =	ssyncset.done $0x0  }
0xd2: {  	[sflag:s30] =	ssyncadd.s32 $0xFFFFE000  }
0xd3: {  	_ =	swait.ge [sflag:s30], $0x2000  }
0xd4: {  	[sflag:s30] =	ssyncset.done $0x0  }
0xd5: {  	[sflag:s30] =	ssyncadd.s32 $0xFFFFE000  }
0xd6: {  	_ =	swait.ge [sflag:s30], $0x2000  }
0xd7: {  	[sflag:s30] =	ssyncset.done $0x0  }
0xd8: {  	[sflag:s30] =	ssyncadd.s32 $0xFFFFE000  }
0xd9: {  	_ =	swait.ge [sflag:s30], $0x2000  }
0xda: {  	[sflag:s30] =	ssyncset.done $0x0  }
0xdb: {  	[sflag:s30] =	ssyncadd.s32 $0xFFFFE000  }
0xdc: {  	_ =	swait.ge [sflag:s30], $0x2000  }
0xdd: {  	[sflag:s30] =	ssyncset.done $0x0  }
0xde: {  	[sflag:s30] =	ssyncadd.s32 $0xFFFFE000  }
0xdf: {  	_ =	swait.ge [sflag:s30], $0x2000  }
0xe0: {  	[sflag:s30] =	ssyncset.done $0x0  }
0xe1: {  	[sflag:s30] =	ssyncadd.s32 $0xFFFFE000  }
0xe2: {  	_ =	swait.ge [sflag:s30], $0x2000  }
0xe3: {  	[sflag:s30] =	ssyncset.done $0x0  }
0xe4: {  	[sflag:s30] =	ssyncadd.s32 $0xFFFFE000  }
0xe5: {  	_ =	swait.ge [sflag:s30], $0x2000  }
0xe6: {  	[sflag:s30] =	ssyncset.done $0x0  }
0xe7: {  	[sflag:s30] =	ssyncadd.s32 $0xFFFFE000  }
0xe8: {  	_ =	swait.ge [sflag:s30], $0x2000  }
0xe9: {  	[sflag:s30] =	ssyncset.done $0x0  }
0xea: {  	[sflag:s30] =	ssyncadd.s32 $0xFFFFE000  }
0xeb: {  	_ =	swait.ge [sflag:s30], $0x2000  }
0xec: {  	[sflag:s30] =	ssyncset.done $0x0  }
0xed: {  	[sflag:s30] =	ssyncadd.s32 $0xFFFFE000  }
0xee: {  	_ =	swait.ge [sflag:s30], $0x2000  }
0xef: {  	[sflag:s30] =	ssyncset.done $0x0  }
0xf0: {  	[sflag:s30] =	ssyncadd.s32 $0xFFFFE000  }
0xf1: {  	_ =	swait.ge [sflag:s30], $0x2000  }
0xf2: {  	[sflag:s30] =	ssyncset.done $0x0  }
0xf3: {  	[sflag:s30] =	ssyncadd.s32 $0xFFFFE000  }
0xf4: {  	_ =	swait.ge [sflag:s30], $0x2000  }
0xf5: {  	[sflag:s30] =	ssyncset.done $0x0  }
0xf6: {  	[sflag:s30] =	ssyncadd.s32 $0xFFFFE000  }
0xf7: {  	_ =	swait.ge [sflag:s30], $0x2000  }
0xf8: {  	[sflag:s30] =	ssyncset.done $0x0  }
0xf9: {  	[sflag:s30] =	ssyncadd.s32 $0xFFFFE000  }
0xfa: {  	_ =	swait.ge [sflag:s30], $0x2000  }
0xfb: {  	[sflag:s30] =	ssyncset.done $0x0  }
0xfc: {  	[sflag:s30] =	ssyncadd.s32 $0xFFFFE000  }
0xfd: {  	_ =	swait.ge [sflag:s30], $0x2000  }
0xfe: {  	[sflag:s30] =	ssyncset.done $0x0  }
0xff: {  	[sflag:s30] =	ssyncadd.s32 $0xFFFFE000  }
0x100: {  	_ =	swait.ge [sflag:s30], $0x2000  }
0x101: {  	[sflag:s30] =	ssyncset.done $0x0  }
0x102: {  	[sflag:s30] =	ssyncadd.s32 $0xFFFFE000  }
0x103: {  	_ =	swait.ge [sflag:s30], $0x2000  }
0x104: {  	[sflag:s30] =	ssyncset.done $0x0  }
0x105: {  	[sflag:s30] =	ssyncadd.s32 $0xFFFFE000  }
0x106: {  	_ =	swait.ge [sflag:s30], $0x2000  }
0x107: {  	[sflag:s30] =	ssyncset.done $0x0  }
0x108: {  	[sflag:s30] =	ssyncadd.s32 $0xFFFFE000  }
0x109: {  	_ =	swait.ge [sflag:s30], $0x2000  }
0x10a: {  	[sflag:s30] =	ssyncset.done $0x0  }
0x10b: {  	[sflag:s30] =	ssyncadd.s32 $0xFFFFE000  }
0x10c: {  	_ =	swait.ge [sflag:s30], $0x2000  }
0x10d: {  	[sflag:s30] =	ssyncset.done $0x0  }
0x10e: {  	[sflag:s30] =	ssyncadd.s32 $0xFFFFE000  }
0x10f: {  	_ =	swait.ge [sflag:s30], $0x2000  }
0x110: {  	[sflag:s30] =	ssyncset.done $0x0  }
0x111: {  	[sflag:s30] =	ssyncadd.s32 $0xFFFFE000  }
0x112: {  	_ =	swait.ge [sflag:s30], $0x2000  }
0x113: {  	[sflag:s30] =	ssyncset.done $0x0  }
0x114: {  	[sflag:s30] =	ssyncadd.s32 $0xFFFFE000  }
0x115: {  	_ =	swait.ge [sflag:s30], $0x2000  }
0x116: {  	[sflag:s30] =	ssyncset.done $0x0  }
0x117: {  	[sflag:s30] =	ssyncadd.s32 $0xFFFFE000  }
0x118: {  	_ =	swait.ge [sflag:s30], $0x2000  }
0x119: {  	[sflag:s30] =	ssyncset.done $0x0  }
0x11a: {  	[sflag:s30] =	ssyncadd.s32 $0xFFFFE000  }
0x11b: {  	_ =	swait.ge [sflag:s30], $0x2000  }
0x11c: {  	[sflag:s30] =	ssyncset.done $0x0  }
0x11d: {  	[sflag:s30] =	ssyncadd.s32 $0xFFFFE000  }
0x11e: {  	_ =	swait.ge [sflag:s30], $0x2000  }
0x11f: {  	[sflag:s30] =	ssyncset.done $0x0  }
0x120: {  	[sflag:s30] =	ssyncadd.s32 $0xFFFFE000  }
0x121: {  	_ =	swait.ge [sflag:s30], $0x2000  }
0x122: {  	[sflag:s30] =	ssyncset.done $0x0  }
0x123: {  	s26 =	simm.s32 $0x0;
	[sflag:s30] =	ssyncadd.s32 $0xFFFFE000  }
0x124: {  	[hbm4b:s7+s26] =	stream.linear.scatter [tilespmem:s18], [sflag:$0x3], $0x2000, $0x38;
	[tilespmem:$0x1C880] =	vst v63  }
0x125: {  	_ =	swait.ge [sflag:s16], $0x2000  }
0x126: {  	[sflag:s16] =	ssyncset.done $0x0  }
0x127: {  	s24 =	simm.s32 $0x0;
	s26 =	simm.s32 $0x200;
	[sflag:s16] =	ssyncadd.s32 $0xFFFFE000  }
.LBB2_6:
0x128: {  	p1 =	sne.s32 s26, $0x7E00;
	[tilespmem:s24+$0x5070] =	vst v0  }
0x129: {  	[tilespmem:s24+$0x5000] =	vst v0  }
0x12a: {  	[tilespmem:s24+$0x5010] =	vst v0  }
.Ltmp2:
0x12b: {  	[tilespmem:s24+$0x5020] =	vst v0;
	(pc) =	sbr.rel @p1 .LBB2_6-.Ltmp2, $4  }
0x12c: {  	[tilespmem:s24+$0x5030] =	vst v0  }
0x12d: {  	[tilespmem:s24+$0x5040] =	vst v0  }
0x12e: {  	[tilespmem:s24+$0x5050] =	vst v0  }
0x12f: {  	[tilespmem:s24+$0x5060] =	vst v0;
	s24 =	sshra.s32 s26, $0x2;
	s26 =	sadd.s32 $0x200, s26  }
0x130: {  	[tilespmem:s24+$0x5070] =	vst v0  }
0x131: {  	[tilespmem:s24+$0x5000] =	vst v0  }
0x132: {  	[tilespmem:s24+$0x5010] =	vst v0  }
0x133: {  	[tilespmem:s24+$0x5020] =	vst v0  }
0x134: {  	[tilespmem:s24+$0x5030] =	vst v0  }
0x135: {  	[tilespmem:s24+$0x5040] =	vst v0  }
0x136: {  	[tilespmem:s24+$0x5050] =	vst v0  }
0x137: {  	[tilespmem:s24+$0x5060] =	vst v0;
	s26 =	simm.s32 $0x2000  }
0x138: {  	[tilespmem:s18], [sflag:$0x1] =	stream.indirect.gather.add.f32 [spmem:s1], $0x80, s26, s17, $0xb8;
	[tilespmem:$0x1C880] =	vst v63  }
0x139: {  	s26 =	simm.s32 $0x2080  }
0x13a: {  	[tilespmem:s18], [sflag:$0x1] =	stream.indirect.gather.add.f32 [spmem:s1], $0x80, s26, s17, $0xb8;
	[tilespmem:$0x1C880] =	vst v63  }
0x13b: {  	s26 =	simm.s32 $0x2100  }
0x13c: {  	[tilespmem:s18], [sflag:$0x1] =	stream.indirect.gather.add.f32 [spmem:s1], $0x80, s26, s17, $0xb8;
	[tilespmem:$0x1C880] =	vst v63  }
0x13d: {  	s26 =	simm.s32 $0x2180  }
0x13e: {  	[tilespmem:s18], [sflag:$0x1] =	stream.indirect.gather.add.f32 [spmem:s1], $0x80, s26, s17, $0xb8;
	[tilespmem:$0x1C880] =	vst v63  }
0x13f: {  	s26 =	simm.s32 $0x2200  }
0x140: {  	[tilespmem:s18], [sflag:$0x1] =	stream.indirect.gather.add.f32 [spmem:s1], $0x80, s26, s17, $0xb8;
	[tilespmem:$0x1C880] =	vst v63  }
0x141: {  	s26 =	simm.s32 $0x2280  }
0x142: {  	[tilespmem:s18], [sflag:$0x1] =	stream.indirect.gather.add.f32 [spmem:s1], $0x80, s26, s17, $0xb8;
	[tilespmem:$0x1C880] =	vst v63  }
0x143: {  	s26 =	simm.s32 $0x2300  }
0x144: {  	[tilespmem:s18], [sflag:$0x1] =	stream.indirect.gather.add.f32 [spmem:s1], $0x80, s26, s17, $0xb8;
	[tilespmem:$0x1C880] =	vst v63  }
0x145: {  	s26 =	simm.s32 $0x2380  }
0x146: {  	[tilespmem:s18], [sflag:$0x1] =	stream.indirect.gather.add.f32 [spmem:s1], $0x80, s26, s17, $0xb8;
	[tilespmem:$0x1C880] =	vst v63  }
0x147: {  	s26 =	simm.s32 $0x2400  }
0x148: {  	[tilespmem:s18], [sflag:$0x1] =	stream.indirect.gather.add.f32 [spmem:s1], $0x80, s26, s17, $0xb8;
	[tilespmem:$0x1C880] =	vst v63  }
0x149: {  	s26 =	simm.s32 $0x2480  }
0x14a: {  	[tilespmem:s18], [sflag:$0x1] =	stream.indirect.gather.add.f32 [spmem:s1], $0x80, s26, s17, $0xb8;
	[tilespmem:$0x1C880] =	vst v63  }
0x14b: {  	s26 =	simm.s32 $0x2500  }
0x14c: {  	[tilespmem:s18], [sflag:$0x1] =	stream.indirect.gather.add.f32 [spmem:s1], $0x80, s26, s17, $0xb8;
	[tilespmem:$0x1C880] =	vst v63  }
0x14d: {  	s26 =	simm.s32 $0x2580  }
0x14e: {  	[tilespmem:s18], [sflag:$0x1] =	stream.indirect.gather.add.f32 [spmem:s1], $0x80, s26, s17, $0xb8;
	[tilespmem:$0x1C880] =	vst v63  }
0x14f: {  	s26 =	simm.s32 $0x2600  }
0x150: {  	[tilespmem:s18], [sflag:$0x1] =	stream.indirect.gather.add.f32 [spmem:s1], $0x80, s26, s17, $0xb8;
	[tilespmem:$0x1C880] =	vst v63  }
0x151: {  	s26 =	simm.s32 $0x2680  }
0x152: {  	[tilespmem:s18], [sflag:$0x1] =	stream.indirect.gather.add.f32 [spmem:s1], $0x80, s26, s17, $0xb8;
	[tilespmem:$0x1C880] =	vst v63  }
0x153: {  	s26 =	simm.s32 $0x2700  }
0x154: {  	[tilespmem:s18], [sflag:$0x1] =	stream.indirect.gather.add.f32 [spmem:s1], $0x80, s26, s17, $0xb8;
	[tilespmem:$0x1C880] =	vst v63  }
0x155: {  	s26 =	simm.s32 $0x2780  }
0x156: {  	[tilespmem:s18], [sflag:$0x1] =	stream.indirect.gather.add.f32 [spmem:s1], $0x80, s26, s17, $0xb8;
	[tilespmem:$0x1C880] =	vst v63  }
0x157: {  	s26 =	simm.s32 $0x2800  }
0x158: {  	[tilespmem:s18], [sflag:$0x1] =	stream.indirect.gather.add.f32 [spmem:s1], $0x80, s26, s17, $0xb8;
	[tilespmem:$0x1C880] =	vst v63  }
0x159: {  	s26 =	simm.s32 $0x2880  }
0x15a: {  	[tilespmem:s18], [sflag:$0x1] =	stream.indirect.gather.add.f32 [spmem:s1], $0x80, s26, s17, $0xb8;
	[tilespmem:$0x1C880] =	vst v63  }
0x15b: {  	s26 =	simm.s32 $0x2900  }
0x15c: {  	[tilespmem:s18], [sflag:$0x1] =	stream.indirect.gather.add.f32 [spmem:s1], $0x80, s26, s17, $0xb8;
	[tilespmem:$0x1C880] =	vst v63  }
0x15d: {  	s26 =	simm.s32 $0x2980  }
0x15e: {  	[tilespmem:s18], [sflag:$0x1] =	stream.indirect.gather.add.f32 [spmem:s1], $0x80, s26, s17, $0xb8;
	[tilespmem:$0x1C880] =	vst v63  }
0x15f: {  	s26 =	simm.s32 $0x2A00  }
0x160: {  	[tilespmem:s18], [sflag:$0x1] =	stream.indirect.gather.add.f32 [spmem:s1], $0x80, s26, s17, $0xb8;
	[tilespmem:$0x1C880] =	vst v63  }
0x161: {  	s26 =	simm.s32 $0x2A80  }
0x162: {  	[tilespmem:s18], [sflag:$0x1] =	stream.indirect.gather.add.f32 [spmem:s1], $0x80, s26, s17, $0xb8;
	[tilespmem:$0x1C880] =	vst v63  }
0x163: {  	s26 =	simm.s32 $0x2B00  }
0x164: {  	[tilespmem:s18], [sflag:$0x1] =	stream.indirect.gather.add.f32 [spmem:s1], $0x80, s26, s17, $0xb8;
	[tilespmem:$0x1C880] =	vst v63  }
0x165: {  	s26 =	simm.s32 $0x2B80  }
0x166: {  	[tilespmem:s18], [sflag:$0x1] =	stream.indirect.gather.add.f32 [spmem:s1], $0x80, s26, s17, $0xb8;
	[tilespmem:$0x1C880] =	vst v63  }
0x167: {  	s26 =	simm.s32 $0x2C00  }
0x168: {  	[tilespmem:s18], [sflag:$0x1] =	stream.indirect.gather.add.f32 [spmem:s1], $0x80, s26, s17, $0xb8;
	[tilespmem:$0x1C880] =	vst v63  }
0x169: {  	s26 =	simm.s32 $0x2C80  }
0x16a: {  	[tilespmem:s18], [sflag:$0x1] =	stream.indirect.gather.add.f32 [spmem:s1], $0x80, s26, s17, $0xb8;
	[tilespmem:$0x1C880] =	vst v63  }
0x16b: {  	s26 =	simm.s32 $0x2D00  }
0x16c: {  	[tilespmem:s18], [sflag:$0x1] =	stream.indirect.gather.add.f32 [spmem:s1], $0x80, s26, s17, $0xb8;
	[tilespmem:$0x1C880] =	vst v63  }
0x16d: {  	s26 =	simm.s32 $0x2D80  }
0x16e: {  	[tilespmem:s18], [sflag:$0x1] =	stream.indirect.gather.add.f32 [spmem:s1], $0x80, s26, s17, $0xb8;
	[tilespmem:$0x1C880] =	vst v63  }
0x16f: {  	s26 =	simm.s32 $0x2E00  }
0x170: {  	[tilespmem:s18], [sflag:$0x1] =	stream.indirect.gather.add.f32 [spmem:s1], $0x80, s26, s17, $0xb8;
	[tilespmem:$0x1C880] =	vst v63  }
0x171: {  	s26 =	simm.s32 $0x2E80  }
0x172: {  	[tilespmem:s18], [sflag:$0x1] =	stream.indirect.gather.add.f32 [spmem:s1], $0x80, s26, s17, $0xb8;
	[tilespmem:$0x1C880] =	vst v63  }
0x173: {  	s26 =	simm.s32 $0x2F00  }
0x174: {  	[tilespmem:s18], [sflag:$0x1] =	stream.indirect.gather.add.f32 [spmem:s1], $0x80, s26, s17, $0xb8;
	[tilespmem:$0x1C880] =	vst v63  }
0x175: {  	s26 =	simm.s32 $0x2F80  }
0x176: {  	[tilespmem:s18], [sflag:$0x1] =	stream.indirect.gather.add.f32 [spmem:s1], $0x80, s26, s17, $0xb8;
	[tilespmem:$0x1C880] =	vst v63  }
0x177: {  	_ =	swait.ge [sflag:s25], $0x2000  }
0x178: {  	[sflag:s25] =	ssyncset.done $0x0  }
0x179: {  	[sflag:s25] =	ssyncadd.s32 $0xFFFFE000  }
0x17a: {  	_ =	swait.ge [sflag:s25], $0x2000  }
0x17b: {  	[sflag:s25] =	ssyncset.done $0x0  }
0x17c: {  	[sflag:s25] =	ssyncadd.s32 $0xFFFFE000  }
0x17d: {  	_ =	swait.ge [sflag:s25], $0x2000  }
0x17e: {  	[sflag:s25] =	ssyncset.done $0x0  }
0x17f: {  	[sflag:s25] =	ssyncadd.s32 $0xFFFFE000  }
0x180: {  	_ =	swait.ge [sflag:s25], $0x2000  }
0x181: {  	[sflag:s25] =	ssyncset.done $0x0  }
0x182: {  	[sflag:s25] =	ssyncadd.s32 $0xFFFFE000  }
0x183: {  	_ =	swait.ge [sflag:s25], $0x2000  }
0x184: {  	[sflag:s25] =	ssyncset.done $0x0  }
0x185: {  	[sflag:s25] =	ssyncadd.s32 $0xFFFFE000  }
0x186: {  	_ =	swait.ge [sflag:s25], $0x2000  }
0x187: {  	[sflag:s25] =	ssyncset.done $0x0  }
0x188: {  	[sflag:s25] =	ssyncadd.s32 $0xFFFFE000  }
0x189: {  	_ =	swait.ge [sflag:s25], $0x2000  }
0x18a: {  	[sflag:s25] =	ssyncset.done $0x0  }
0x18b: {  	[sflag:s25] =	ssyncadd.s32 $0xFFFFE000  }
0x18c: {  	_ =	swait.ge [sflag:s25], $0x2000  }
0x18d: {  	[sflag:s25] =	ssyncset.done $0x0  }
0x18e: {  	[sflag:s25] =	ssyncadd.s32 $0xFFFFE000  }
0x18f: {  	_ =	swait.ge [sflag:s25], $0x2000  }
0x190: {  	[sflag:s25] =	ssyncset.done $0x0  }
0x191: {  	[sflag:s25] =	ssyncadd.s32 $0xFFFFE000  }
0x192: {  	_ =	swait.ge [sflag:s25], $0x2000  }
0x193: {  	[sflag:s25] =	ssyncset.done $0x0  }
0x194: {  	[sflag:s25] =	ssyncadd.s32 $0xFFFFE000  }
0x195: {  	_ =	swait.ge [sflag:s25], $0x2000  }
0x196: {  	[sflag:s25] =	ssyncset.done $0x0  }
0x197: {  	[sflag:s25] =	ssyncadd.s32 $0xFFFFE000  }
0x198: {  	_ =	swait.ge [sflag:s25], $0x2000  }
0x199: {  	[sflag:s25] =	ssyncset.done $0x0  }
0x19a: {  	[sflag:s25] =	ssyncadd.s32 $0xFFFFE000  }
0x19b: {  	_ =	swait.ge [sflag:s25], $0x2000  }
0x19c: {  	[sflag:s25] =	ssyncset.done $0x0  }
0x19d: {  	[sflag:s25] =	ssyncadd.s32 $0xFFFFE000  }
0x19e: {  	_ =	swait.ge [sflag:s25], $0x2000  }
0x19f: {  	[sflag:s25] =	ssyncset.done $0x0  }
0x1a0: {  	[sflag:s25] =	ssyncadd.s32 $0xFFFFE000  }
0x1a1: {  	_ =	swait.ge [sflag:s25], $0x2000  }
0x1a2: {  	[sflag:s25] =	ssyncset.done $0x0  }
0x1a3: {  	[sflag:s25] =	ssyncadd.s32 $0xFFFFE000  }
0x1a4: {  	_ =	swait.ge [sflag:s25], $0x2000  }
0x1a5: {  	[sflag:s25] =	ssyncset.done $0x0  }
0x1a6: {  	[sflag:s25] =	ssyncadd.s32 $0xFFFFE000  }
0x1a7: {  	_ =	swait.ge [sflag:s25], $0x2000  }
0x1a8: {  	[sflag:s25] =	ssyncset.done $0x0  }
0x1a9: {  	[sflag:s25] =	ssyncadd.s32 $0xFFFFE000  }
0x1aa: {  	_ =	swait.ge [sflag:s25], $0x2000  }
0x1ab: {  	[sflag:s25] =	ssyncset.done $0x0  }
0x1ac: {  	[sflag:s25] =	ssyncadd.s32 $0xFFFFE000  }
0x1ad: {  	_ =	swait.ge [sflag:s25], $0x2000  }
0x1ae: {  	[sflag:s25] =	ssyncset.done $0x0  }
0x1af: {  	[sflag:s25] =	ssyncadd.s32 $0xFFFFE000  }
0x1b0: {  	_ =	swait.ge [sflag:s25], $0x2000  }
0x1b1: {  	[sflag:s25] =	ssyncset.done $0x0  }
0x1b2: {  	[sflag:s25] =	ssyncadd.s32 $0xFFFFE000  }
0x1b3: {  	_ =	swait.ge [sflag:s25], $0x2000  }
0x1b4: {  	[sflag:s25] =	ssyncset.done $0x0  }
0x1b5: {  	[sflag:s25] =	ssyncadd.s32 $0xFFFFE000  }
0x1b6: {  	_ =	swait.ge [sflag:s25], $0x2000  }
0x1b7: {  	[sflag:s25] =	ssyncset.done $0x0  }
0x1b8: {  	[sflag:s25] =	ssyncadd.s32 $0xFFFFE000  }
0x1b9: {  	_ =	swait.ge [sflag:s25], $0x2000  }
0x1ba: {  	[sflag:s25] =	ssyncset.done $0x0  }
0x1bb: {  	[sflag:s25] =	ssyncadd.s32 $0xFFFFE000  }
0x1bc: {  	_ =	swait.ge [sflag:s25], $0x2000  }
0x1bd: {  	[sflag:s25] =	ssyncset.done $0x0  }
0x1be: {  	[sflag:s25] =	ssyncadd.s32 $0xFFFFE000  }
0x1bf: {  	_ =	swait.ge [sflag:s25], $0x2000  }
0x1c0: {  	[sflag:s25] =	ssyncset.done $0x0  }
0x1c1: {  	[sflag:s25] =	ssyncadd.s32 $0xFFFFE000  }
0x1c2: {  	_ =	swait.ge [sflag:s25], $0x2000  }
0x1c3: {  	[sflag:s25] =	ssyncset.done $0x0  }
0x1c4: {  	[sflag:s25] =	ssyncadd.s32 $0xFFFFE000  }
0x1c5: {  	_ =	swait.ge [sflag:s25], $0x2000  }
0x1c6: {  	[sflag:s25] =	ssyncset.done $0x0  }
0x1c7: {  	[sflag:s25] =	ssyncadd.s32 $0xFFFFE000  }
0x1c8: {  	_ =	swait.ge [sflag:s25], $0x2000  }
0x1c9: {  	[sflag:s25] =	ssyncset.done $0x0  }
0x1ca: {  	[sflag:s25] =	ssyncadd.s32 $0xFFFFE000  }
0x1cb: {  	_ =	swait.ge [sflag:s25], $0x2000  }
0x1cc: {  	[sflag:s25] =	ssyncset.done $0x0  }
0x1cd: {  	[sflag:s25] =	ssyncadd.s32 $0xFFFFE000  }
0x1ce: {  	_ =	swait.ge [sflag:s25], $0x2000  }
0x1cf: {  	[sflag:s25] =	ssyncset.done $0x0  }
0x1d0: {  	[sflag:s25] =	ssyncadd.s32 $0xFFFFE000  }
0x1d1: {  	_ =	swait.ge [sflag:s25], $0x2000  }
0x1d2: {  	[sflag:s25] =	ssyncset.done $0x0  }
0x1d3: {  	[sflag:s25] =	ssyncadd.s32 $0xFFFFE000  }
0x1d4: {  	_ =	swait.ge [sflag:s25], $0x2000  }
0x1d5: {  	[sflag:s25] =	ssyncset.done $0x0  }
0x1d6: {  	s26 =	simm.s32 $0x0;
	[sflag:s25] =	ssyncadd.s32 $0xFFFFE000  }
0x1d7: {  	[hbm4b:s8+s26] =	stream.linear.scatter [tilespmem:s23], [sflag:$0x3], $0x2000, $0x38;
	[tilespmem:$0x1C880] =	vst v63  }
0x1d8: {  	_ =	swait.ge [sflag:s16], $0x2000  }
0x1d9: {  	[sflag:s16] =	ssyncset.done $0x0  }
0x1da: {  	s24 =	simm.s32 $0x0;
	s26 =	simm.s32 $0x200;
	[sflag:s16] =	ssyncadd.s32 $0xFFFFE000  }
.LBB2_8:
0x1db: {  	p1 =	sne.s32 s26, $0x7E00;
	[tilespmem:s24+$0x7070] =	vst v0  }
0x1dc: {  	[tilespmem:s24+$0x7000] =	vst v0  }
0x1dd: {  	[tilespmem:s24+$0x7010] =	vst v0  }
.Ltmp3:
0x1de: {  	[tilespmem:s24+$0x7020] =	vst v0;
	(pc) =	sbr.rel @p1 .LBB2_8-.Ltmp3, $4  }
0x1df: {  	[tilespmem:s24+$0x7030] =	vst v0  }
0x1e0: {  	[tilespmem:s24+$0x7040] =	vst v0  }
0x1e1: {  	[tilespmem:s24+$0x7050] =	vst v0  }
0x1e2: {  	[tilespmem:s24+$0x7060] =	vst v0;
	s24 =	sshra.s32 s26, $0x2;
	s26 =	sadd.s32 $0x200, s26  }
0x1e3: {  	[tilespmem:s24+$0x7070] =	vst v0  }
0x1e4: {  	[tilespmem:s24+$0x7000] =	vst v0  }
0x1e5: {  	[tilespmem:s24+$0x7010] =	vst v0  }
0x1e6: {  	[tilespmem:s24+$0x7020] =	vst v0  }
0x1e7: {  	[tilespmem:s24+$0x7030] =	vst v0  }
0x1e8: {  	[tilespmem:s24+$0x7040] =	vst v0  }
0x1e9: {  	[tilespmem:s24+$0x7050] =	vst v0  }
0x1ea: {  	[tilespmem:s24+$0x7060] =	vst v0;
	s26 =	simm.s32 $0x3000  }
0x1eb: {  	[tilespmem:s23], [sflag:$0x2] =	stream.indirect.gather.add.f32 [spmem:s1], $0x80, s26, s17, $0xb8;
	[tilespmem:$0x1C880] =	vst v63  }
0x1ec: {  	s26 =	simm.s32 $0x3080  }
0x1ed: {  	[tilespmem:s23], [sflag:$0x2] =	stream.indirect.gather.add.f32 [spmem:s1], $0x80, s26, s17, $0xb8;
	[tilespmem:$0x1C880] =	vst v63  }
0x1ee: {  	s26 =	simm.s32 $0x3100  }
0x1ef: {  	[tilespmem:s23], [sflag:$0x2] =	stream.indirect.gather.add.f32 [spmem:s1], $0x80, s26, s17, $0xb8;
	[tilespmem:$0x1C880] =	vst v63  }
0x1f0: {  	s26 =	simm.s32 $0x3180  }
0x1f1: {  	[tilespmem:s23], [sflag:$0x2] =	stream.indirect.gather.add.f32 [spmem:s1], $0x80, s26, s17, $0xb8;
	[tilespmem:$0x1C880] =	vst v63  }
0x1f2: {  	s26 =	simm.s32 $0x3200  }
0x1f3: {  	[tilespmem:s23], [sflag:$0x2] =	stream.indirect.gather.add.f32 [spmem:s1], $0x80, s26, s17, $0xb8;
	[tilespmem:$0x1C880] =	vst v63  }
0x1f4: {  	s26 =	simm.s32 $0x3280  }
0x1f5: {  	[tilespmem:s23], [sflag:$0x2] =	stream.indirect.gather.add.f32 [spmem:s1], $0x80, s26, s17, $0xb8;
	[tilespmem:$0x1C880] =	vst v63  }
0x1f6: {  	s26 =	simm.s32 $0x3300  }
0x1f7: {  	[tilespmem:s23], [sflag:$0x2] =	stream.indirect.gather.add.f32 [spmem:s1], $0x80, s26, s17, $0xb8;
	[tilespmem:$0x1C880] =	vst v63  }
0x1f8: {  	s26 =	simm.s32 $0x3380  }
0x1f9: {  	[tilespmem:s23], [sflag:$0x2] =	stream.indirect.gather.add.f32 [spmem:s1], $0x80, s26, s17, $0xb8;
	[tilespmem:$0x1C880] =	vst v63  }
0x1fa: {  	s26 =	simm.s32 $0x3400  }
0x1fb: {  	[tilespmem:s23], [sflag:$0x2] =	stream.indirect.gather.add.f32 [spmem:s1], $0x80, s26, s17, $0xb8;
	[tilespmem:$0x1C880] =	vst v63  }
0x1fc: {  	s26 =	simm.s32 $0x3480  }
0x1fd: {  	[tilespmem:s23], [sflag:$0x2] =	stream.indirect.gather.add.f32 [spmem:s1], $0x80, s26, s17, $0xb8;
	[tilespmem:$0x1C880] =	vst v63  }
0x1fe: {  	s26 =	simm.s32 $0x3500  }
0x1ff: {  	[tilespmem:s23], [sflag:$0x2] =	stream.indirect.gather.add.f32 [spmem:s1], $0x80, s26, s17, $0xb8;
	[tilespmem:$0x1C880] =	vst v63  }
0x200: {  	s26 =	simm.s32 $0x3580  }
0x201: {  	[tilespmem:s23], [sflag:$0x2] =	stream.indirect.gather.add.f32 [spmem:s1], $0x80, s26, s17, $0xb8;
	[tilespmem:$0x1C880] =	vst v63  }
0x202: {  	s26 =	simm.s32 $0x3600  }
0x203: {  	[tilespmem:s23], [sflag:$0x2] =	stream.indirect.gather.add.f32 [spmem:s1], $0x80, s26, s17, $0xb8;
	[tilespmem:$0x1C880] =	vst v63  }
0x204: {  	s26 =	simm.s32 $0x3680  }
0x205: {  	[tilespmem:s23], [sflag:$0x2] =	stream.indirect.gather.add.f32 [spmem:s1], $0x80, s26, s17, $0xb8;
	[tilespmem:$0x1C880] =	vst v63  }
0x206: {  	s26 =	simm.s32 $0x3700  }
0x207: {  	[tilespmem:s23], [sflag:$0x2] =	stream.indirect.gather.add.f32 [spmem:s1], $0x80, s26, s17, $0xb8;
	[tilespmem:$0x1C880] =	vst v63  }
0x208: {  	s26 =	simm.s32 $0x3780  }
0x209: {  	[tilespmem:s23], [sflag:$0x2] =	stream.indirect.gather.add.f32 [spmem:s1], $0x80, s26, s17, $0xb8;
	[tilespmem:$0x1C880] =	vst v63  }
0x20a: {  	s26 =	simm.s32 $0x3800  }
0x20b: {  	[tilespmem:s23], [sflag:$0x2] =	stream.indirect.gather.add.f32 [spmem:s1], $0x80, s26, s17, $0xb8;
	[tilespmem:$0x1C880] =	vst v63  }
0x20c: {  	s26 =	simm.s32 $0x3880  }
0x20d: {  	[tilespmem:s23], [sflag:$0x2] =	stream.indirect.gather.add.f32 [spmem:s1], $0x80, s26, s17, $0xb8;
	[tilespmem:$0x1C880] =	vst v63  }
0x20e: {  	s26 =	simm.s32 $0x3900  }
0x20f: {  	[tilespmem:s23], [sflag:$0x2] =	stream.indirect.gather.add.f32 [spmem:s1], $0x80, s26, s17, $0xb8;
	[tilespmem:$0x1C880] =	vst v63  }
0x210: {  	s26 =	simm.s32 $0x3980  }
0x211: {  	[tilespmem:s23], [sflag:$0x2] =	stream.indirect.gather.add.f32 [spmem:s1], $0x80, s26, s17, $0xb8;
	[tilespmem:$0x1C880] =	vst v63  }
0x212: {  	s26 =	simm.s32 $0x3A00  }
0x213: {  	[tilespmem:s23], [sflag:$0x2] =	stream.indirect.gather.add.f32 [spmem:s1], $0x80, s26, s17, $0xb8;
	[tilespmem:$0x1C880] =	vst v63  }
0x214: {  	s26 =	simm.s32 $0x3A80  }
0x215: {  	[tilespmem:s23], [sflag:$0x2] =	stream.indirect.gather.add.f32 [spmem:s1], $0x80, s26, s17, $0xb8;
	[tilespmem:$0x1C880] =	vst v63  }
0x216: {  	s26 =	simm.s32 $0x3B00  }
0x217: {  	[tilespmem:s23], [sflag:$0x2] =	stream.indirect.gather.add.f32 [spmem:s1], $0x80, s26, s17, $0xb8;
	[tilespmem:$0x1C880] =	vst v63  }
0x218: {  	s26 =	simm.s32 $0x3B80  }
0x219: {  	[tilespmem:s23], [sflag:$0x2] =	stream.indirect.gather.add.f32 [spmem:s1], $0x80, s26, s17, $0xb8;
	[tilespmem:$0x1C880] =	vst v63  }
0x21a: {  	s26 =	simm.s32 $0x3C00  }
0x21b: {  	[tilespmem:s23], [sflag:$0x2] =	stream.indirect.gather.add.f32 [spmem:s1], $0x80, s26, s17, $0xb8;
	[tilespmem:$0x1C880] =	vst v63  }
0x21c: {  	s26 =	simm.s32 $0x3C80  }
0x21d: {  	[tilespmem:s23], [sflag:$0x2] =	stream.indirect.gather.add.f32 [spmem:s1], $0x80, s26, s17, $0xb8;
	[tilespmem:$0x1C880] =	vst v63  }
0x21e: {  	s26 =	simm.s32 $0x3D00  }
0x21f: {  	[tilespmem:s23], [sflag:$0x2] =	stream.indirect.gather.add.f32 [spmem:s1], $0x80, s26, s17, $0xb8;
	[tilespmem:$0x1C880] =	vst v63  }
0x220: {  	s26 =	simm.s32 $0x3D80  }
0x221: {  	[tilespmem:s23], [sflag:$0x2] =	stream.indirect.gather.add.f32 [spmem:s1], $0x80, s26, s17, $0xb8;
	[tilespmem:$0x1C880] =	vst v63  }
0x222: {  	s26 =	simm.s32 $0x3E00  }
0x223: {  	[tilespmem:s23], [sflag:$0x2] =	stream.indirect.gather.add.f32 [spmem:s1], $0x80, s26, s17, $0xb8;
	[tilespmem:$0x1C880] =	vst v63  }
0x224: {  	s26 =	simm.s32 $0x3E80  }
0x225: {  	[tilespmem:s23], [sflag:$0x2] =	stream.indirect.gather.add.f32 [spmem:s1], $0x80, s26, s17, $0xb8;
	[tilespmem:$0x1C880] =	vst v63  }
0x226: {  	s26 =	simm.s32 $0x3F00  }
0x227: {  	[tilespmem:s23], [sflag:$0x2] =	stream.indirect.gather.add.f32 [spmem:s1], $0x80, s26, s17, $0xb8;
	[tilespmem:$0x1C880] =	vst v63  }
0x228: {  	s26 =	simm.s32 $0x3F80  }
0x229: {  	[tilespmem:s23], [sflag:$0x2] =	stream.indirect.gather.add.f32 [spmem:s1], $0x80, s26, s17, $0xb8;
	[tilespmem:$0x1C880] =	vst v63  }
0x22a: {  	_ =	swait.ge [sflag:s30], $0x2000  }
0x22b: {  	[sflag:s30] =	ssyncset.done $0x0  }
0x22c: {  	[sflag:s30] =	ssyncadd.s32 $0xFFFFE000  }
0x22d: {  	_ =	swait.ge [sflag:s30], $0x2000  }
0x22e: {  	[sflag:s30] =	ssyncset.done $0x0  }
0x22f: {  	[sflag:s30] =	ssyncadd.s32 $0xFFFFE000  }
0x230: {  	_ =	swait.ge [sflag:s30], $0x2000  }
0x231: {  	[sflag:s30] =	ssyncset.done $0x0  }
0x232: {  	[sflag:s30] =	ssyncadd.s32 $0xFFFFE000  }
0x233: {  	_ =	swait.ge [sflag:s30], $0x2000  }
0x234: {  	[sflag:s30] =	ssyncset.done $0x0  }
0x235: {  	[sflag:s30] =	ssyncadd.s32 $0xFFFFE000  }
0x236: {  	_ =	swait.ge [sflag:s30], $0x2000  }
0x237: {  	[sflag:s30] =	ssyncset.done $0x0  }
0x238: {  	[sflag:s30] =	ssyncadd.s32 $0xFFFFE000  }
0x239: {  	_ =	swait.ge [sflag:s30], $0x2000  }
0x23a: {  	[sflag:s30] =	ssyncset.done $0x0  }
0x23b: {  	[sflag:s30] =	ssyncadd.s32 $0xFFFFE000  }
0x23c: {  	_ =	swait.ge [sflag:s30], $0x2000  }
0x23d: {  	[sflag:s30] =	ssyncset.done $0x0  }
0x23e: {  	[sflag:s30] =	ssyncadd.s32 $0xFFFFE000  }
0x23f: {  	_ =	swait.ge [sflag:s30], $0x2000  }
0x240: {  	[sflag:s30] =	ssyncset.done $0x0  }
0x241: {  	[sflag:s30] =	ssyncadd.s32 $0xFFFFE000  }
0x242: {  	_ =	swait.ge [sflag:s30], $0x2000  }
0x243: {  	[sflag:s30] =	ssyncset.done $0x0  }
0x244: {  	[sflag:s30] =	ssyncadd.s32 $0xFFFFE000  }
0x245: {  	_ =	swait.ge [sflag:s30], $0x2000  }
0x246: {  	[sflag:s30] =	ssyncset.done $0x0  }
0x247: {  	[sflag:s30] =	ssyncadd.s32 $0xFFFFE000  }
0x248: {  	_ =	swait.ge [sflag:s30], $0x2000  }
0x249: {  	[sflag:s30] =	ssyncset.done $0x0  }
0x24a: {  	[sflag:s30] =	ssyncadd.s32 $0xFFFFE000  }
0x24b: {  	_ =	swait.ge [sflag:s30], $0x2000  }
0x24c: {  	[sflag:s30] =	ssyncset.done $0x0  }
0x24d: {  	[sflag:s30] =	ssyncadd.s32 $0xFFFFE000  }
0x24e: {  	_ =	swait.ge [sflag:s30], $0x2000  }
0x24f: {  	[sflag:s30] =	ssyncset.done $0x0  }
0x250: {  	[sflag:s30] =	ssyncadd.s32 $0xFFFFE000  }
0x251: {  	_ =	swait.ge [sflag:s30], $0x2000  }
0x252: {  	[sflag:s30] =	ssyncset.done $0x0  }
0x253: {  	[sflag:s30] =	ssyncadd.s32 $0xFFFFE000  }
0x254: {  	_ =	swait.ge [sflag:s30], $0x2000  }
0x255: {  	[sflag:s30] =	ssyncset.done $0x0  }
0x256: {  	[sflag:s30] =	ssyncadd.s32 $0xFFFFE000  }
0x257: {  	_ =	swait.ge [sflag:s30], $0x2000  }
0x258: {  	[sflag:s30] =	ssyncset.done $0x0  }
0x259: {  	[sflag:s30] =	ssyncadd.s32 $0xFFFFE000  }
0x25a: {  	_ =	swait.ge [sflag:s30], $0x2000  }
0x25b: {  	[sflag:s30] =	ssyncset.done $0x0  }
0x25c: {  	[sflag:s30] =	ssyncadd.s32 $0xFFFFE000  }
0x25d: {  	_ =	swait.ge [sflag:s30], $0x2000  }
0x25e: {  	[sflag:s30] =	ssyncset.done $0x0  }
0x25f: {  	[sflag:s30] =	ssyncadd.s32 $0xFFFFE000  }
0x260: {  	_ =	swait.ge [sflag:s30], $0x2000  }
0x261: {  	[sflag:s30] =	ssyncset.done $0x0  }
0x262: {  	[sflag:s30] =	ssyncadd.s32 $0xFFFFE000  }
0x263: {  	_ =	swait.ge [sflag:s30], $0x2000  }
0x264: {  	[sflag:s30] =	ssyncset.done $0x0  }
0x265: {  	[sflag:s30] =	ssyncadd.s32 $0xFFFFE000  }
0x266: {  	_ =	swait.ge [sflag:s30], $0x2000  }
0x267: {  	[sflag:s30] =	ssyncset.done $0x0  }
0x268: {  	[sflag:s30] =	ssyncadd.s32 $0xFFFFE000  }
0x269: {  	_ =	swait.ge [sflag:s30], $0x2000  }
0x26a: {  	[sflag:s30] =	ssyncset.done $0x0  }
0x26b: {  	[sflag:s30] =	ssyncadd.s32 $0xFFFFE000  }
0x26c: {  	_ =	swait.ge [sflag:s30], $0x2000  }
0x26d: {  	[sflag:s30] =	ssyncset.done $0x0  }
0x26e: {  	[sflag:s30] =	ssyncadd.s32 $0xFFFFE000  }
0x26f: {  	_ =	swait.ge [sflag:s30], $0x2000  }
0x270: {  	[sflag:s30] =	ssyncset.done $0x0  }
0x271: {  	[sflag:s30] =	ssyncadd.s32 $0xFFFFE000  }
0x272: {  	_ =	swait.ge [sflag:s30], $0x2000  }
0x273: {  	[sflag:s30] =	ssyncset.done $0x0  }
0x274: {  	[sflag:s30] =	ssyncadd.s32 $0xFFFFE000  }
0x275: {  	_ =	swait.ge [sflag:s30], $0x2000  }
0x276: {  	[sflag:s30] =	ssyncset.done $0x0  }
0x277: {  	[sflag:s30] =	ssyncadd.s32 $0xFFFFE000  }
0x278: {  	_ =	swait.ge [sflag:s30], $0x2000  }
0x279: {  	[sflag:s30] =	ssyncset.done $0x0  }
0x27a: {  	[sflag:s30] =	ssyncadd.s32 $0xFFFFE000  }
0x27b: {  	_ =	swait.ge [sflag:s30], $0x2000  }
0x27c: {  	[sflag:s30] =	ssyncset.done $0x0  }
0x27d: {  	[sflag:s30] =	ssyncadd.s32 $0xFFFFE000  }
0x27e: {  	_ =	swait.ge [sflag:s30], $0x2000  }
0x27f: {  	[sflag:s30] =	ssyncset.done $0x0  }
0x280: {  	[sflag:s30] =	ssyncadd.s32 $0xFFFFE000  }
0x281: {  	_ =	swait.ge [sflag:s30], $0x2000  }
0x282: {  	[sflag:s30] =	ssyncset.done $0x0  }
0x283: {  	[sflag:s30] =	ssyncadd.s32 $0xFFFFE000  }
0x284: {  	_ =	swait.ge [sflag:s30], $0x2000  }
0x285: {  	[sflag:s30] =	ssyncset.done $0x0  }
0x286: {  	[sflag:s30] =	ssyncadd.s32 $0xFFFFE000  }
0x287: {  	_ =	swait.ge [sflag:s30], $0x2000  }
0x288: {  	[sflag:s30] =	ssyncset.done $0x0  }
0x289: {  	s26 =	simm.s32 $0x0;
	[sflag:s30] =	ssyncadd.s32 $0xFFFFE000  }
0x28a: {  	[hbm4b:s9+s26] =	stream.linear.scatter [tilespmem:s18], [sflag:$0x3], $0x2000, $0x38;
	[tilespmem:$0x1C880] =	vst v63  }
0x28b: {  	_ =	swait.ge [sflag:s16], $0x2000  }
0x28c: {  	[sflag:s16] =	ssyncset.done $0x0  }
0x28d: {  	s24 =	simm.s32 $0x0;
	s26 =	simm.s32 $0x200;
	[sflag:s16] =	ssyncadd.s32 $0xFFFFE000  }
.LBB2_10:
0x28e: {  	p1 =	sne.s32 s26, $0x7E00;
	[tilespmem:s24+$0x5070] =	vst v0  }
0x28f: {  	[tilespmem:s24+$0x5000] =	vst v0  }
0x290: {  	[tilespmem:s24+$0x5010] =	vst v0  }
.Ltmp4:
0x291: {  	[tilespmem:s24+$0x5020] =	vst v0;
	(pc) =	sbr.rel @p1 .LBB2_10-.Ltmp4, $4  }
0x292: {  	[tilespmem:s24+$0x5030] =	vst v0  }
0x293: {  	[tilespmem:s24+$0x5040] =	vst v0  }
0x294: {  	[tilespmem:s24+$0x5050] =	vst v0  }
0x295: {  	[tilespmem:s24+$0x5060] =	vst v0;
	s24 =	sshra.s32 s26, $0x2;
	s26 =	sadd.s32 $0x200, s26  }
0x296: {  	[tilespmem:s24+$0x5070] =	vst v0  }
0x297: {  	[tilespmem:s24+$0x5000] =	vst v0  }
0x298: {  	[tilespmem:s24+$0x5010] =	vst v0  }
0x299: {  	[tilespmem:s24+$0x5020] =	vst v0  }
0x29a: {  	[tilespmem:s24+$0x5030] =	vst v0  }
0x29b: {  	[tilespmem:s24+$0x5040] =	vst v0  }
0x29c: {  	[tilespmem:s24+$0x5050] =	vst v0  }
0x29d: {  	[tilespmem:s24+$0x5060] =	vst v0;
	s26 =	simm.s32 $0x4000  }
0x29e: {  	[tilespmem:s18], [sflag:$0x1] =	stream.indirect.gather.add.f32 [spmem:s1], $0x80, s26, s17, $0xb8;
	[tilespmem:$0x1C880] =	vst v63  }
0x29f: {  	s26 =	simm.s32 $0x4080  }
0x2a0: {  	[tilespmem:s18], [sflag:$0x1] =	stream.indirect.gather.add.f32 [spmem:s1], $0x80, s26, s17, $0xb8;
	[tilespmem:$0x1C880] =	vst v63  }
0x2a1: {  	s26 =	simm.s32 $0x4100  }
0x2a2: {  	[tilespmem:s18], [sflag:$0x1] =	stream.indirect.gather.add.f32 [spmem:s1], $0x80, s26, s17, $0xb8;
	[tilespmem:$0x1C880] =	vst v63  }
0x2a3: {  	s26 =	simm.s32 $0x4180  }
0x2a4: {  	[tilespmem:s18], [sflag:$0x1] =	stream.indirect.gather.add.f32 [spmem:s1], $0x80, s26, s17, $0xb8;
	[tilespmem:$0x1C880] =	vst v63  }
0x2a5: {  	s26 =	simm.s32 $0x4200  }
0x2a6: {  	[tilespmem:s18], [sflag:$0x1] =	stream.indirect.gather.add.f32 [spmem:s1], $0x80, s26, s17, $0xb8;
	[tilespmem:$0x1C880] =	vst v63  }
0x2a7: {  	s26 =	simm.s32 $0x4280  }
0x2a8: {  	[tilespmem:s18], [sflag:$0x1] =	stream.indirect.gather.add.f32 [spmem:s1], $0x80, s26, s17, $0xb8;
	[tilespmem:$0x1C880] =	vst v63  }
0x2a9: {  	s26 =	simm.s32 $0x4300  }
0x2aa: {  	[tilespmem:s18], [sflag:$0x1] =	stream.indirect.gather.add.f32 [spmem:s1], $0x80, s26, s17, $0xb8;
	[tilespmem:$0x1C880] =	vst v63  }
0x2ab: {  	s26 =	simm.s32 $0x4380  }
0x2ac: {  	[tilespmem:s18], [sflag:$0x1] =	stream.indirect.gather.add.f32 [spmem:s1], $0x80, s26, s17, $0xb8;
	[tilespmem:$0x1C880] =	vst v63  }
0x2ad: {  	s26 =	simm.s32 $0x4400  }
0x2ae: {  	[tilespmem:s18], [sflag:$0x1] =	stream.indirect.gather.add.f32 [spmem:s1], $0x80, s26, s17, $0xb8;
	[tilespmem:$0x1C880] =	vst v63  }
0x2af: {  	s26 =	simm.s32 $0x4480  }
0x2b0: {  	[tilespmem:s18], [sflag:$0x1] =	stream.indirect.gather.add.f32 [spmem:s1], $0x80, s26, s17, $0xb8;
	[tilespmem:$0x1C880] =	vst v63  }
0x2b1: {  	s26 =	simm.s32 $0x4500  }
0x2b2: {  	[tilespmem:s18], [sflag:$0x1] =	stream.indirect.gather.add.f32 [spmem:s1], $0x80, s26, s17, $0xb8;
	[tilespmem:$0x1C880] =	vst v63  }
0x2b3: {  	s26 =	simm.s32 $0x4580  }
0x2b4: {  	[tilespmem:s18], [sflag:$0x1] =	stream.indirect.gather.add.f32 [spmem:s1], $0x80, s26, s17, $0xb8;
	[tilespmem:$0x1C880] =	vst v63  }
0x2b5: {  	s26 =	simm.s32 $0x4600  }
0x2b6: {  	[tilespmem:s18], [sflag:$0x1] =	stream.indirect.gather.add.f32 [spmem:s1], $0x80, s26, s17, $0xb8;
	[tilespmem:$0x1C880] =	vst v63  }
0x2b7: {  	s26 =	simm.s32 $0x4680  }
0x2b8: {  	[tilespmem:s18], [sflag:$0x1] =	stream.indirect.gather.add.f32 [spmem:s1], $0x80, s26, s17, $0xb8;
	[tilespmem:$0x1C880] =	vst v63  }
0x2b9: {  	s26 =	simm.s32 $0x4700  }
0x2ba: {  	[tilespmem:s18], [sflag:$0x1] =	stream.indirect.gather.add.f32 [spmem:s1], $0x80, s26, s17, $0xb8;
	[tilespmem:$0x1C880] =	vst v63  }
0x2bb: {  	s26 =	simm.s32 $0x4780  }
0x2bc: {  	[tilespmem:s18], [sflag:$0x1] =	stream.indirect.gather.add.f32 [spmem:s1], $0x80, s26, s17, $0xb8;
	[tilespmem:$0x1C880] =	vst v63  }
0x2bd: {  	s26 =	simm.s32 $0x4800  }
0x2be: {  	[tilespmem:s18], [sflag:$0x1] =	stream.indirect.gather.add.f32 [spmem:s1], $0x80, s26, s17, $0xb8;
	[tilespmem:$0x1C880] =	vst v63  }
0x2bf: {  	s26 =	simm.s32 $0x4880  }
0x2c0: {  	[tilespmem:s18], [sflag:$0x1] =	stream.indirect.gather.add.f32 [spmem:s1], $0x80, s26, s17, $0xb8;
	[tilespmem:$0x1C880] =	vst v63  }
0x2c1: {  	s26 =	simm.s32 $0x4900  }
0x2c2: {  	[tilespmem:s18], [sflag:$0x1] =	stream.indirect.gather.add.f32 [spmem:s1], $0x80, s26, s17, $0xb8;
	[tilespmem:$0x1C880] =	vst v63  }
0x2c3: {  	s26 =	simm.s32 $0x4980  }
0x2c4: {  	[tilespmem:s18], [sflag:$0x1] =	stream.indirect.gather.add.f32 [spmem:s1], $0x80, s26, s17, $0xb8;
	[tilespmem:$0x1C880] =	vst v63  }
0x2c5: {  	s26 =	simm.s32 $0x4A00  }
0x2c6: {  	[tilespmem:s18], [sflag:$0x1] =	stream.indirect.gather.add.f32 [spmem:s1], $0x80, s26, s17, $0xb8;
	[tilespmem:$0x1C880] =	vst v63  }
0x2c7: {  	s26 =	simm.s32 $0x4A80  }
0x2c8: {  	[tilespmem:s18], [sflag:$0x1] =	stream.indirect.gather.add.f32 [spmem:s1], $0x80, s26, s17, $0xb8;
	[tilespmem:$0x1C880] =	vst v63  }
0x2c9: {  	s26 =	simm.s32 $0x4B00  }
0x2ca: {  	[tilespmem:s18], [sflag:$0x1] =	stream.indirect.gather.add.f32 [spmem:s1], $0x80, s26, s17, $0xb8;
	[tilespmem:$0x1C880] =	vst v63  }
0x2cb: {  	s26 =	simm.s32 $0x4B80  }
0x2cc: {  	[tilespmem:s18], [sflag:$0x1] =	stream.indirect.gather.add.f32 [spmem:s1], $0x80, s26, s17, $0xb8;
	[tilespmem:$0x1C880] =	vst v63  }
0x2cd: {  	_ = 	snop  }
0x2ce: {  	[tilespmem:s18], [sflag:$0x1] =	stream.indirect.gather.add.f32 [spmem:s1], $0x80, s28, s17, $0xb8;
	[tilespmem:$0x1C880] =	vst v63  }
0x2cf: {  	_ = 	snop  }
0x2d0: {  	[tilespmem:s18], [sflag:$0x1] =	stream.indirect.gather.add.f32 [spmem:s1], $0x80, s29, s17, $0xb8;
	[tilespmem:$0x1C880] =	vst v63  }
0x2d1: {  	_ = 	snop  }
0x2d2: {  	[tilespmem:s18], [sflag:$0x1] =	stream.indirect.gather.add.f32 [spmem:s1], $0x80, s31, s17, $0xb8;
	[tilespmem:$0x1C880] =	vst v63  }
0x2d3: {  	_ = 	snop  }
0x2d4: {  	[tilespmem:s18], [sflag:$0x1] =	stream.indirect.gather.add.f32 [spmem:s1], $0x80, s0, s17, $0xb8;
	[tilespmem:$0x1C880] =	vst v63  }
0x2d5: {  	_ = 	snop  }
0x2d6: {  	[tilespmem:s18], [sflag:$0x1] =	stream.indirect.gather.add.f32 [spmem:s1], $0x80, s3, s17, $0xb8;
	[tilespmem:$0x1C880] =	vst v63  }
0x2d7: {  	_ = 	snop  }
0x2d8: {  	[tilespmem:s18], [sflag:$0x1] =	stream.indirect.gather.add.f32 [spmem:s1], $0x80, s19, s17, $0xb8;
	[tilespmem:$0x1C880] =	vst v63  }
0x2d9: {  	_ = 	snop  }
0x2da: {  	[tilespmem:s18], [sflag:$0x1] =	stream.indirect.gather.add.f32 [spmem:s1], $0x80, s20, s17, $0xb8;
	[tilespmem:$0x1C880] =	vst v63  }
0x2db: {  	_ = 	snop  }
0x2dc: {  	[tilespmem:s18], [sflag:$0x1] =	stream.indirect.gather.add.f32 [spmem:s1], $0x80, s21, s17, $0xb8;
	[tilespmem:$0x1C880] =	vst v63  }
0x2dd: {  	_ =	swait.ge [sflag:s25], $0x2000  }
0x2de: {  	[sflag:s25] =	ssyncset.done $0x0  }
0x2df: {  	[sflag:s25] =	ssyncadd.s32 $0xFFFFE000  }
0x2e0: {  	_ =	swait.ge [sflag:s25], $0x2000  }
0x2e1: {  	[sflag:s25] =	ssyncset.done $0x0  }
0x2e2: {  	[sflag:s25] =	ssyncadd.s32 $0xFFFFE000  }
0x2e3: {  	_ =	swait.ge [sflag:s25], $0x2000  }
0x2e4: {  	[sflag:s25] =	ssyncset.done $0x0  }
0x2e5: {  	[sflag:s25] =	ssyncadd.s32 $0xFFFFE000  }
0x2e6: {  	_ =	swait.ge [sflag:s25], $0x2000  }
0x2e7: {  	[sflag:s25] =	ssyncset.done $0x0  }
0x2e8: {  	[sflag:s25] =	ssyncadd.s32 $0xFFFFE000  }
0x2e9: {  	_ =	swait.ge [sflag:s25], $0x2000  }
0x2ea: {  	[sflag:s25] =	ssyncset.done $0x0  }
0x2eb: {  	[sflag:s25] =	ssyncadd.s32 $0xFFFFE000  }
0x2ec: {  	_ =	swait.ge [sflag:s25], $0x2000  }
0x2ed: {  	[sflag:s25] =	ssyncset.done $0x0  }
0x2ee: {  	[sflag:s25] =	ssyncadd.s32 $0xFFFFE000  }
0x2ef: {  	_ =	swait.ge [sflag:s25], $0x2000  }
0x2f0: {  	[sflag:s25] =	ssyncset.done $0x0  }
0x2f1: {  	[sflag:s25] =	ssyncadd.s32 $0xFFFFE000  }
0x2f2: {  	_ =	swait.ge [sflag:s25], $0x2000  }
0x2f3: {  	[sflag:s25] =	ssyncset.done $0x0  }
0x2f4: {  	[sflag:s25] =	ssyncadd.s32 $0xFFFFE000  }
0x2f5: {  	_ =	swait.ge [sflag:s25], $0x2000  }
0x2f6: {  	[sflag:s25] =	ssyncset.done $0x0  }
0x2f7: {  	[sflag:s25] =	ssyncadd.s32 $0xFFFFE000  }
0x2f8: {  	_ =	swait.ge [sflag:s25], $0x2000  }
0x2f9: {  	[sflag:s25] =	ssyncset.done $0x0  }
0x2fa: {  	[sflag:s25] =	ssyncadd.s32 $0xFFFFE000  }
0x2fb: {  	_ =	swait.ge [sflag:s25], $0x2000  }
0x2fc: {  	[sflag:s25] =	ssyncset.done $0x0  }
0x2fd: {  	[sflag:s25] =	ssyncadd.s32 $0xFFFFE000  }
0x2fe: {  	_ =	swait.ge [sflag:s25], $0x2000  }
0x2ff: {  	[sflag:s25] =	ssyncset.done $0x0  }
0x300: {  	[sflag:s25] =	ssyncadd.s32 $0xFFFFE000  }
0x301: {  	_ =	swait.ge [sflag:s25], $0x2000  }
0x302: {  	[sflag:s25] =	ssyncset.done $0x0  }
0x303: {  	[sflag:s25] =	ssyncadd.s32 $0xFFFFE000  }
0x304: {  	_ =	swait.ge [sflag:s25], $0x2000  }
0x305: {  	[sflag:s25] =	ssyncset.done $0x0  }
0x306: {  	[sflag:s25] =	ssyncadd.s32 $0xFFFFE000  }
0x307: {  	_ =	swait.ge [sflag:s25], $0x2000  }
0x308: {  	[sflag:s25] =	ssyncset.done $0x0  }
0x309: {  	[sflag:s25] =	ssyncadd.s32 $0xFFFFE000  }
0x30a: {  	_ =	swait.ge [sflag:s25], $0x2000  }
0x30b: {  	[sflag:s25] =	ssyncset.done $0x0  }
0x30c: {  	[sflag:s25] =	ssyncadd.s32 $0xFFFFE000  }
0x30d: {  	_ =	swait.ge [sflag:s25], $0x2000  }
0x30e: {  	[sflag:s25] =	ssyncset.done $0x0  }
0x30f: {  	[sflag:s25] =	ssyncadd.s32 $0xFFFFE000  }
0x310: {  	_ =	swait.ge [sflag:s25], $0x2000  }
0x311: {  	[sflag:s25] =	ssyncset.done $0x0  }
0x312: {  	[sflag:s25] =	ssyncadd.s32 $0xFFFFE000  }
0x313: {  	_ =	swait.ge [sflag:s25], $0x2000  }
0x314: {  	[sflag:s25] =	ssyncset.done $0x0  }
0x315: {  	[sflag:s25] =	ssyncadd.s32 $0xFFFFE000  }
0x316: {  	_ =	swait.ge [sflag:s25], $0x2000  }
0x317: {  	[sflag:s25] =	ssyncset.done $0x0  }
0x318: {  	[sflag:s25] =	ssyncadd.s32 $0xFFFFE000  }
0x319: {  	_ =	swait.ge [sflag:s25], $0x2000  }
0x31a: {  	[sflag:s25] =	ssyncset.done $0x0  }
0x31b: {  	[sflag:s25] =	ssyncadd.s32 $0xFFFFE000  }
0x31c: {  	_ =	swait.ge [sflag:s25], $0x2000  }
0x31d: {  	[sflag:s25] =	ssyncset.done $0x0  }
0x31e: {  	[sflag:s25] =	ssyncadd.s32 $0xFFFFE000  }
0x31f: {  	_ =	swait.ge [sflag:s25], $0x2000  }
0x320: {  	[sflag:s25] =	ssyncset.done $0x0  }
0x321: {  	[sflag:s25] =	ssyncadd.s32 $0xFFFFE000  }
0x322: {  	_ =	swait.ge [sflag:s25], $0x2000  }
0x323: {  	[sflag:s25] =	ssyncset.done $0x0  }
0x324: {  	[sflag:s25] =	ssyncadd.s32 $0xFFFFE000  }
0x325: {  	_ =	swait.ge [sflag:s25], $0x2000  }
0x326: {  	[sflag:s25] =	ssyncset.done $0x0  }
0x327: {  	[sflag:s25] =	ssyncadd.s32 $0xFFFFE000  }
0x328: {  	_ =	swait.ge [sflag:s25], $0x2000  }
0x329: {  	[sflag:s25] =	ssyncset.done $0x0  }
0x32a: {  	[sflag:s25] =	ssyncadd.s32 $0xFFFFE000  }
0x32b: {  	_ =	swait.ge [sflag:s25], $0x2000  }
0x32c: {  	[sflag:s25] =	ssyncset.done $0x0  }
0x32d: {  	[sflag:s25] =	ssyncadd.s32 $0xFFFFE000  }
0x32e: {  	_ =	swait.ge [sflag:s25], $0x2000  }
0x32f: {  	[sflag:s25] =	ssyncset.done $0x0  }
0x330: {  	[sflag:s25] =	ssyncadd.s32 $0xFFFFE000  }
0x331: {  	_ =	swait.ge [sflag:s25], $0x2000  }
0x332: {  	[sflag:s25] =	ssyncset.done $0x0  }
0x333: {  	[sflag:s25] =	ssyncadd.s32 $0xFFFFE000  }
0x334: {  	_ =	swait.ge [sflag:s25], $0x2000  }
0x335: {  	[sflag:s25] =	ssyncset.done $0x0  }
0x336: {  	[sflag:s25] =	ssyncadd.s32 $0xFFFFE000  }
0x337: {  	_ =	swait.ge [sflag:s25], $0x2000  }
0x338: {  	[sflag:s25] =	ssyncset.done $0x0  }
0x339: {  	[sflag:s25] =	ssyncadd.s32 $0xFFFFE000  }
0x33a: {  	_ =	swait.ge [sflag:s25], $0x2000  }
0x33b: {  	[sflag:s25] =	ssyncset.done $0x0  }
0x33c: {  	[sflag:s25] =	ssyncadd.s32 $0xFFFFE000  }
0x33d: {  	[hbm4b:s10+s2] =	stream.linear.scatter [tilespmem:s23], [sflag:$0x3], $0x2000, $0x38;
	[tilespmem:$0x1C880] =	vst v63  }
0x33e: {  	_ =	swait.ge [sflag:s16], $0x2000  }
0x33f: {  	[sflag:s16] =	ssyncset.done $0x0  }
0x340: {  	[sflag:s16] =	ssyncadd.s32 $0xFFFFE000  }
0x341: {  	_ =	swait.ge [sflag:s30], $0x2000  }
0x342: {  	[sflag:s30] =	ssyncset.done $0x0  }
0x343: {  	[sflag:s30] =	ssyncadd.s32 $0xFFFFE000  }
0x344: {  	_ =	swait.ge [sflag:s30], $0x2000  }
0x345: {  	[sflag:s30] =	ssyncset.done $0x0  }
0x346: {  	[sflag:s30] =	ssyncadd.s32 $0xFFFFE000  }
0x347: {  	_ =	swait.ge [sflag:s30], $0x2000  }
0x348: {  	[sflag:s30] =	ssyncset.done $0x0  }
0x349: {  	[sflag:s30] =	ssyncadd.s32 $0xFFFFE000  }
0x34a: {  	_ =	swait.ge [sflag:s30], $0x2000  }
0x34b: {  	[sflag:s30] =	ssyncset.done $0x0  }
0x34c: {  	[sflag:s30] =	ssyncadd.s32 $0xFFFFE000  }
0x34d: {  	_ =	swait.ge [sflag:s30], $0x2000  }
0x34e: {  	[sflag:s30] =	ssyncset.done $0x0  }
0x34f: {  	[sflag:s30] =	ssyncadd.s32 $0xFFFFE000  }
0x350: {  	_ =	swait.ge [sflag:s30], $0x2000  }
0x351: {  	[sflag:s30] =	ssyncset.done $0x0  }
0x352: {  	[sflag:s30] =	ssyncadd.s32 $0xFFFFE000  }
0x353: {  	_ =	swait.ge [sflag:s30], $0x2000  }
0x354: {  	[sflag:s30] =	ssyncset.done $0x0  }
0x355: {  	[sflag:s30] =	ssyncadd.s32 $0xFFFFE000  }
0x356: {  	_ =	swait.ge [sflag:s30], $0x2000  }
0x357: {  	[sflag:s30] =	ssyncset.done $0x0  }
0x358: {  	[sflag:s30] =	ssyncadd.s32 $0xFFFFE000  }
0x359: {  	_ =	swait.ge [sflag:s30], $0x2000  }
0x35a: {  	[sflag:s30] =	ssyncset.done $0x0  }
0x35b: {  	[sflag:s30] =	ssyncadd.s32 $0xFFFFE000  }
0x35c: {  	_ =	swait.ge [sflag:s30], $0x2000  }
0x35d: {  	[sflag:s30] =	ssyncset.done $0x0  }
0x35e: {  	[sflag:s30] =	ssyncadd.s32 $0xFFFFE000  }
0x35f: {  	_ =	swait.ge [sflag:s30], $0x2000  }
0x360: {  	[sflag:s30] =	ssyncset.done $0x0  }
0x361: {  	[sflag:s30] =	ssyncadd.s32 $0xFFFFE000  }
0x362: {  	_ =	swait.ge [sflag:s30], $0x2000  }
0x363: {  	[sflag:s30] =	ssyncset.done $0x0  }
0x364: {  	[sflag:s30] =	ssyncadd.s32 $0xFFFFE000  }
0x365: {  	_ =	swait.ge [sflag:s30], $0x2000  }
0x366: {  	[sflag:s30] =	ssyncset.done $0x0  }
0x367: {  	[sflag:s30] =	ssyncadd.s32 $0xFFFFE000  }
0x368: {  	_ =	swait.ge [sflag:s30], $0x2000  }
0x369: {  	[sflag:s30] =	ssyncset.done $0x0  }
0x36a: {  	[sflag:s30] =	ssyncadd.s32 $0xFFFFE000  }
0x36b: {  	_ =	swait.ge [sflag:s30], $0x2000  }
0x36c: {  	[sflag:s30] =	ssyncset.done $0x0  }
0x36d: {  	[sflag:s30] =	ssyncadd.s32 $0xFFFFE000  }
0x36e: {  	_ =	swait.ge [sflag:s30], $0x2000  }
0x36f: {  	[sflag:s30] =	ssyncset.done $0x0  }
0x370: {  	[sflag:s30] =	ssyncadd.s32 $0xFFFFE000  }
0x371: {  	_ =	swait.ge [sflag:s30], $0x2000  }
0x372: {  	[sflag:s30] =	ssyncset.done $0x0  }
0x373: {  	[sflag:s30] =	ssyncadd.s32 $0xFFFFE000  }
0x374: {  	_ =	swait.ge [sflag:s30], $0x2000  }
0x375: {  	[sflag:s30] =	ssyncset.done $0x0  }
0x376: {  	[sflag:s30] =	ssyncadd.s32 $0xFFFFE000  }
0x377: {  	_ =	swait.ge [sflag:s30], $0x2000  }
0x378: {  	[sflag:s30] =	ssyncset.done $0x0  }
0x379: {  	[sflag:s30] =	ssyncadd.s32 $0xFFFFE000  }
0x37a: {  	_ =	swait.ge [sflag:s30], $0x2000  }
0x37b: {  	[sflag:s30] =	ssyncset.done $0x0  }
0x37c: {  	[sflag:s30] =	ssyncadd.s32 $0xFFFFE000  }
0x37d: {  	_ =	swait.ge [sflag:s30], $0x2000  }
0x37e: {  	[sflag:s30] =	ssyncset.done $0x0  }
0x37f: {  	[sflag:s30] =	ssyncadd.s32 $0xFFFFE000  }
0x380: {  	_ =	swait.ge [sflag:s30], $0x2000  }
0x381: {  	[sflag:s30] =	ssyncset.done $0x0  }
0x382: {  	[sflag:s30] =	ssyncadd.s32 $0xFFFFE000  }
0x383: {  	_ =	swait.ge [sflag:s30], $0x2000  }
0x384: {  	[sflag:s30] =	ssyncset.done $0x0  }
0x385: {  	[sflag:s30] =	ssyncadd.s32 $0xFFFFE000  }
0x386: {  	_ =	swait.ge [sflag:s30], $0x2000  }
0x387: {  	[sflag:s30] =	ssyncset.done $0x0  }
0x388: {  	[sflag:s30] =	ssyncadd.s32 $0xFFFFE000  }
0x389: {  	_ =	swait.ge [sflag:s30], $0x2000  }
0x38a: {  	[sflag:s30] =	ssyncset.done $0x0  }
0x38b: {  	[sflag:s30] =	ssyncadd.s32 $0xFFFFE000  }
0x38c: {  	_ =	swait.ge [sflag:s30], $0x2000  }
0x38d: {  	[sflag:s30] =	ssyncset.done $0x0  }
0x38e: {  	[sflag:s30] =	ssyncadd.s32 $0xFFFFE000  }
0x38f: {  	_ =	swait.ge [sflag:s30], $0x2000  }
0x390: {  	[sflag:s30] =	ssyncset.done $0x0  }
0x391: {  	[sflag:s30] =	ssyncadd.s32 $0xFFFFE000  }
0x392: {  	_ =	swait.ge [sflag:s30], $0x2000  }
0x393: {  	[sflag:s30] =	ssyncset.done $0x0  }
0x394: {  	[sflag:s30] =	ssyncadd.s32 $0xFFFFE000  }
0x395: {  	_ =	swait.ge [sflag:s30], $0x2000  }
0x396: {  	[sflag:s30] =	ssyncset.done $0x0  }
0x397: {  	[sflag:s30] =	ssyncadd.s32 $0xFFFFE000  }
0x398: {  	_ =	swait.ge [sflag:s30], $0x2000  }
0x399: {  	[sflag:s30] =	ssyncset.done $0x0  }
0x39a: {  	[sflag:s30] =	ssyncadd.s32 $0xFFFFE000  }
0x39b: {  	_ =	swait.ge [sflag:s30], $0x2000  }
0x39c: {  	[sflag:s30] =	ssyncset.done $0x0  }
0x39d: {  	[sflag:s30] =	ssyncadd.s32 $0xFFFFE000  }
0x39e: {  	s22 =	sadd.s32 $0x1, s22;
	_ =	swait.ge [sflag:s30], $0x2000  }
0x39f: {  	p1 =	sne.s32 s22, s12;
	[sflag:s30] =	ssyncset.done $0x0  }
.Ltmp5:
0x3a0: {  	[sflag:s30] =	ssyncadd.s32 $0xFFFFE000;
	(pc) =	sbr.rel @p1 .LBB2_1-.Ltmp5, $4  }
0x3a1: {  	[hbm4b:s11+s2] =	stream.linear.scatter [tilespmem:s18], [sflag:$0x3], $0x2000, $0x38;
	[tilespmem:$0x1C880] =	vst v63  }
0x3a2: {  	_ =	swait.ge [sflag:s16], $0x2000  }
0x3a3: {  	[sflag:s16] =	ssyncset.done $0x0  }
0x3a4: {  	[sflag:s16] =	ssyncadd.s32 $0xFFFFE000  }
0x3a5: {  	_ =	sfence.sel $0x180000  }
0x3a6: {  	[bflag:$0x0] =	sbarrier.arrive $0xFFFF  }
0x3a7: {  	_ =	strace $0x90000047  }
0x3a8: {  	s0 =	stileid.u32;
	[bflag:$0x2] =	sbarrier.arrive $0xFFFF  }
0x3a9: {  	p0 =	sne.s32 s0, $0x0;
	s0 =	rddreg [dreg:$0x4]  }
0x3aa: {  	s0 =	sadd.s32 @!p0 $0x100000, s0  }
0x3ab: {  	[sflag:s0] =	ssyncadd.tile.s32 @!p0 $0x1;
	_ =	shalt  }
.Lfunc_end2:
_tile_overlayer_lowered:
.L_overlay_start_2:
0x3ac: {  	(tag) =	ssettag $0x2  }
0x3ad: {  	s0 =	rddreg [dreg:$0x0];
	s2 =	stileid.u32  }
0x3ae: {  	s1 =	rddreg [dreg:$0x1];
	p0 =	sne.s32 s2, $0x0  }
0x3af: {  	s3 =	rddreg [dreg:$0x2];
	[bflag:$0x3] =	sbarrier.arrive $0xFFFF;
	s2 =	simm.s32 @!p0 $0x1C03  }
0x3b0: {  	[timem:s3], [sflag:s2] =	dma.local @!p0 [hbm:s0], s1  }
0x3b1: {  	s0 =	simm.s32 @!p0 $0x3  }
0x3b2: {  	_ =	swait.ge @!p0 [sflag:s0], s1  }
0x3b3: {  	s1 =	ssub.s32 @!p0 $0x0, s1;
	[sflag:s0] =	ssyncset.done @!p0 $0x0  }
0x3b4: {  	[sflag:s0] =	ssyncadd.s32 @!p0 s1  }
0x3b5: {  	[bflag:$0x3] =	sbarrier.arrive $0xFFFF  }
0x3b6: {  	_ =	shalt  }

</sc_bundles>
